<compile_context>
chip_gen: v7x
topology: tpu7x:2x2x1
jax: 0.10.2.dev20260603
libtpu: 0.0.44.dev20260713+nightly
codegen_flags: <defaults>
</compile_context>

<pallas_src>
import functools

import jax
import jax.numpy as jnp
from jax import lax
from jax.experimental import pallas as pl
from jax.experimental.pallas import tpu as pltpu
from jax.experimental.pallas import tpu_sc as plsc

N = 10000
NP = 10240
D = 128
E = 320000
NC = 2
NS = 16
CH = 128
NCHUNK = E // CH
PER_CORE = NCHUNK // NC
PT = 80
NB = 2
IB = 16
LAG = 12
EPAD = NC * NS * PT * CH
RPT = NP // NS

_MESH = dict(core_axis_name="c", subcore_axis_name="s", num_cores=NC,
             num_subcores=NS)



def _writeback(acc_sh, out_hbm, c, s):
    off = pl.multiple_of(c * NP + s * RPT, 8)
    pltpu.sync_copy(acc_sh.at[pl.ds(s * RPT, RPT)],
                    out_hbm.at[pl.ds(off, RPT)])


def _deg_body(dst_hbm, ones_hbm, zeros_hbm, out_hbm, ones_v, dsts_v,
              acc_sh, sem):
    c = lax.axis_index("c")
    s = lax.axis_index("s")
    cbase = pl.multiple_of((c * NS + s) * PT, 8)
    cnt = jnp.minimum(PT, NCHUNK - (c * NS + s) * PT)
    pltpu.sync_copy(zeros_hbm, acc_sh.at[pl.ds(s * RPT, RPT)])
    pltpu.sync_copy(ones_hbm, ones_v)
    pltpu.sync_copy(dst_hbm.at[pl.ds(cbase, PT)], dsts_v)
    plsc.subcore_barrier()

    def body(tt, carry):
        @pl.when(tt < cnt)
        def _():
            pltpu.async_copy(ones_v, acc_sh.at[dsts_v.at[tt]], sem, add=True)

        @pl.when(tt - LAG >= 0)
        def _():
            @pl.when(tt - LAG < cnt)
            def _():
                pltpu.make_async_copy(ones_v, acc_sh.at[dsts_v.at[tt]],
                                      sem).wait()
        return carry

    lax.fori_loop(0, PT, body, 0)

    def drain(tt, carry):
        @pl.when(tt < cnt)
        def _():
            pltpu.make_async_copy(ones_v, acc_sh.at[dsts_v.at[tt]],
                                  sem).wait()
        return carry

    lax.fori_loop(PT - LAG, PT, drain, 0)
    plsc.subcore_barrier()
    _writeback(acc_sh, out_hbm, c, s)


def _agg_body(y_hbm, src_hbm, dst_hbm, zeros_hbm, out_hbm, srcs_b, dsts_b,
              rows0, rows1, acc_sh, sg0, sg1, si):
    c = lax.axis_index("c")
    s = lax.axis_index("s")
    cbase = pl.multiple_of((c * NS + s) * PT, 8)
    cnt = jnp.minimum(PT, NCHUNK - (c * NS + s) * PT)
    rows = (rows0, rows1)
    sems = (sg0, sg1)

    def iband(u):
        return jnp.bitwise_and(u, 2 * IB - 1)

    def refill_start(tt0):
        half = jnp.bitwise_and(tt0, IB)
        off = pl.multiple_of(cbase + tt0, 8)
        pltpu.async_copy(src_hbm.at[pl.ds(off, IB)],
                         srcs_b.at[pl.ds(half, IB)], si)
        pltpu.async_copy(dst_hbm.at[pl.ds(off, IB)],
                         dsts_b.at[pl.ds(half, IB)], si)

    def refill_wait(tt0):
        half = jnp.bitwise_and(tt0, IB)
        off = pl.multiple_of(cbase + tt0, 8)
        pltpu.make_async_copy(src_hbm.at[pl.ds(off, IB)],
                              srcs_b.at[pl.ds(half, IB)], si).wait()
        pltpu.make_async_copy(dst_hbm.at[pl.ds(off, IB)],
                              dsts_b.at[pl.ds(half, IB)], si).wait()

    def gather_start(u, b):
        pltpu.async_copy(y_hbm.at[srcs_b.at[iband(u)]], rows[b], sems[b])

    pltpu.sync_copy(zeros_hbm, acc_sh.at[pl.ds(s * RPT, RPT)])
    refill_start(0)
    refill_wait(0)
    plsc.subcore_barrier()
    for b in range(NB):
        @pl.when(b < cnt)
        def _(b=b):
            gather_start(b, b)

    def body(jj, carry):
        tt = NB * jj

        @pl.when((jnp.bitwise_and(tt, IB - 1) == 0) & (tt + IB < cnt))
        def _():
            refill_start(tt + IB)

        @pl.when((jnp.bitwise_and(tt, IB - 1) == IB - 2) & (tt + 2 < cnt))
        def _():
            refill_wait(tt + 2)

        for b in range(NB):
            u = tt + b

            @pl.when(u < cnt)
            def _(b=b, u=u):
                pltpu.make_async_copy(y_hbm.at[srcs_b.at[iband(u)]],
                                      rows[b], sems[b]).wait()
                pltpu.sync_copy(rows[b], acc_sh.at[dsts_b.at[iband(u)]],
                                add=True)

            @pl.when(u + NB < cnt)
            def _(b=b, u=u):
                gather_start(u + NB, b)
        return carry

    lax.fori_loop(0, PT // NB, body, 0)
    plsc.subcore_barrier()
    _writeback(acc_sh, out_hbm, c, s)


def _deg_call(dst2d, ones_i, zeros_i):
    mesh = plsc.VectorSubcoreMesh(**_MESH)
    f = pl.kernel(
        _deg_body,
        out_type=jax.ShapeDtypeStruct((2 * NP, D), jnp.int32),
        mesh=mesh,
        scratch_types=[
            pltpu.VMEM((CH, D), jnp.int32),
            pltpu.VMEM((PT, CH), jnp.int32),
            pltpu.VMEM_SHARED((NP, D), jnp.int32),
            pltpu.SemaphoreType.DMA,
        ],
    )
    return f(dst2d, ones_i, zeros_i)


def _agg_call(y, src2d, dst2d, zeros_f):
    mesh = plsc.VectorSubcoreMesh(**_MESH)
    f = pl.kernel(
        _agg_body,
        out_type=jax.ShapeDtypeStruct((2 * NP, D), jnp.float32),
        mesh=mesh,
        scratch_types=[
            pltpu.VMEM((2 * IB, CH), jnp.int32),
            pltpu.VMEM((2 * IB, CH), jnp.int32),
            pltpu.VMEM((CH, D), jnp.float32),
            pltpu.VMEM((CH, D), jnp.float32),
            pltpu.VMEM_SHARED((NP, D), jnp.float32),
            pltpu.SemaphoreType.DMA,
            pltpu.SemaphoreType.DMA,
            pltpu.SemaphoreType.DMA,
        ],
    )
    return f(y, src2d, dst2d, zeros_f)



R = 640
G = NP // R
GN = -(-N // R)


def _dinv(d0, d1):
    deg = (d0[:, 0:1] + d1[:, 0:1] + 1).astype(jnp.float32)
    return lax.rsqrt(deg)


def _b_body(x_ref, w_ref, d0, d1, y_ref, dv_ref):
    dinv = _dinv(d0, d1)
    xw = jnp.dot(x_ref[:, :], w_ref[:, :], preferred_element_type=jnp.float32)
    y_ref[:, :] = xw * dinv
    dv_ref[:, :] = dinv


def _d_body(p0, p1, y1_ref, dv_ref, b1_ref, w2_ref, h1_ref, y2_ref):
    dinv = dv_ref[:, :]
    h1 = jnp.maximum(dinv * (p0[:, :] + p1[:, :] + y1_ref[:, :])
                     + b1_ref[:, :], 0.0)
    h1_ref[:, :] = h1
    y2_ref[:, :] = dinv * jnp.dot(h1, w2_ref[:, :],
                                  preferred_element_type=jnp.float32)


def _e_body(p0, p1, y2_ref, dv_ref, b2_ref, h1_ref, wl_ref, bl_ref, o_ref):
    dinv = dv_ref[:, :]
    h2 = jnp.maximum(dinv * (p0[:, :] + p1[:, :] + y2_ref[:, :])
                     + b2_ref[:, :], 0.0)
    o_ref[:, :] = (jnp.dot(h1_ref[:, :], wl_ref[0:D, :],
                           preferred_element_type=jnp.float32)
                   + jnp.dot(h2, wl_ref[D:2 * D, :],
                             preferred_element_type=jnp.float32)
                   + bl_ref[:, :])


_ROW = pl.BlockSpec((R, D), lambda i: (i, 0))
_ROW1 = pl.BlockSpec((R, D), lambda i: (i + G, 0))
_DEG = pl.BlockSpec((R, D), lambda i: (i, 0))
_DEG1 = pl.BlockSpec((R, D), lambda i: (i + G, 0))
_WFULL = pl.BlockSpec((D, D), lambda i: (0, 0))
_BIAS = pl.BlockSpec((1, D), lambda i: (0, 0))


_DV = pl.BlockSpec((R, 1), lambda i: (i, 0))


def _b_call(x, W1, degp):
    return pl.pallas_call(
        _b_body,
        grid=(GN,),
        in_specs=[_ROW, _WFULL, _DEG, _DEG1],
        out_specs=[_ROW, _DV],
        out_shape=[jax.ShapeDtypeStruct((N, D), jnp.float32),
                   jax.ShapeDtypeStruct((N, 1), jnp.float32)],
    )(x, W1, degp, degp)


def _d_call(p1, y1, dv, b1, W2):
    return pl.pallas_call(
        _d_body,
        grid=(GN,),
        in_specs=[_ROW, _ROW1, _ROW, _DV, _BIAS, _WFULL],
        out_specs=[_ROW, _ROW],
        out_shape=[jax.ShapeDtypeStruct((N, D), jnp.float32),
                   jax.ShapeDtypeStruct((N, D), jnp.float32)],
    )(p1, p1, y1, dv, b1, W2)


def _e_call(p2, y2, dv, b2, h1, Wl, bl):
    return pl.pallas_call(
        _e_body,
        grid=(GN,),
        in_specs=[_ROW, _ROW1, _ROW, _DV, _BIAS, _ROW,
                  pl.BlockSpec((2 * D, D), lambda i: (0, 0)), _BIAS],
        out_specs=_ROW,
        out_shape=jax.ShapeDtypeStruct((N, D), jnp.float32),
    )(p2, p2, y2, dv, b2, h1, Wl, bl)



def kernel(x, edge_index, W1, b1, W2, b2, Wl, bl):
    ei = edge_index.astype(jnp.int32)
    pad = jnp.zeros((2, EPAD - E), jnp.int32)
    ei = jnp.concatenate([ei, pad], axis=1)
    src2d = ei[0].reshape(EPAD // CH, CH)
    dst2d = ei[1].reshape(EPAD // CH, CH)
    zeros_f = jnp.zeros((RPT, D), jnp.float32)
    zeros_i = jnp.zeros((RPT, D), jnp.int32)
    ones_i = jnp.ones((CH, D), jnp.int32)

    degp = _deg_call(dst2d, ones_i, zeros_i)
    y1, dv = _b_call(x, W1, degp)
    p1 = _agg_call(y1, src2d, dst2d, zeros_f)
    h1, y2 = _d_call(p1, y1, dv, b1.reshape(1, D), W2)
    p2 = _agg_call(y2, src2d, dst2d, zeros_f)
    return _e_call(p2, y2, dv, b2.reshape(1, D), h1, Wl, bl.reshape(1, D))

# --- scband reference (transcript-rebuilt; emitter-appended) ---
"""Pipeline reference for scband-peagcnchannel-55078660604180 (READ-ONLY COPY).

The authoritative reference and input builder live on the scoring server;
editing this copy changes nothing except your own understanding.
"""

import jax, jax.numpy as jnp
import numpy as np

NUM_NODES = 10000
EMB_DIM = 128
HIDDEN = 128
REPR_DIM = 128
NUM_EDGES = 320000


def gcn_conv(x, edge_index, W, b, num_nodes):
    # PyG GCNConv: linear transform first, then symmetric normalized aggregation
    # with self-loops, then bias.
    x = x @ W
    src = edge_index[0]
    dst = edge_index[1]
    loop = jnp.arange(num_nodes, dtype=edge_index.dtype)
    src = jnp.concatenate([src, loop])
    dst = jnp.concatenate([dst, loop])
    ones = jnp.ones(src.shape[0], dtype=x.dtype)
    deg = jnp.zeros((num_nodes,), dtype=x.dtype).at[dst].add(ones)
    deg_inv_sqrt = jnp.where(deg > 0, deg ** -0.5, 0.0)
    norm = deg_inv_sqrt[src] * deg_inv_sqrt[dst]
    msg = x[src] * norm[:, None]
    out = jnp.zeros((num_nodes, x.shape[1]), dtype=x.dtype).at[dst].add(msg)
    return out + b


def setup_inputs(seed: int = 0) -> dict:
    key = jax.random.key(seed)
    ks = jax.random.split(key, 8)
    x = jax.random.normal(ks[0], (NUM_NODES, EMB_DIM), dtype=jnp.float32)
    edge_index = jax.random.randint(ks[1], (2, NUM_EDGES), 0, NUM_NODES, dtype=jnp.int64)
    # GCNConv layer 1: emb_dim -> hidden
    W1 = jax.random.normal(ks[2], (EMB_DIM, HIDDEN), dtype=jnp.float32) * (1.0 / np.sqrt(EMB_DIM))
    b1 = jnp.zeros((HIDDEN,), dtype=jnp.float32)
    # GCNConv layer 2: hidden -> hidden
    W2 = jax.random.normal(ks[3], (HIDDEN, HIDDEN), dtype=jnp.float32) * (1.0 / np.sqrt(HIDDEN))
    b2 = jnp.zeros((HIDDEN,), dtype=jnp.float32)
    # final Linear: cat of num_steps*hidden -> repr_dim
    Wl = jax.random.normal(ks[4], (2 * HIDDEN, REPR_DIM), dtype=jnp.float32) * (1.0 / np.sqrt(2 * HIDDEN))
    bl = jnp.zeros((REPR_DIM,), dtype=jnp.float32)
    return {"x": x, "edge_index": edge_index, "W1": W1, "b1": b1, "W2": W2, "b2": b2, "Wl": Wl, "bl": bl}


def reference(x, edge_index, W1, b1, W2, b2, Wl, bl):
    # step 1
    h1 = jax.nn.relu(gcn_conv(x, edge_index, W1, b1, NUM_NODES))
    # dropout p=0.0 (eval) -> identity
    # step 2
    h2 = jax.nn.relu(gcn_conv(h1, edge_index, W2, b2, NUM_NODES))
    # JumpingKnowledge(mode='cat')
    h = jnp.concatenate([h1, h2], axis=-1)
    return h @ Wl + bl

if __name__ == "__main__":
    import jax
    _d = setup_inputs()
    print(jax.jit(kernel)(*tuple(_d.values())))

</pallas_src>

<mosaic_0001>
#map = affine_map<(d0, d1) -> (0, 0)>
module attributes {stable_mosaic.version = 14 : i64} {
  func.func @_deg_body(%arg0: i32, %arg1: i32, %arg2: memref<2560x128xi32, #tpu.memory_space<hbm>>, %arg3: memref<128x128xi32, #tpu.memory_space<hbm>>, %arg4: memref<640x128xi32, #tpu.memory_space<hbm>>, %arg5: memref<20480x128xi32, #tpu.memory_space<hbm>>, %arg6: memref<128x128xi32, #tpu.memory_space<vmem>>, %arg7: memref<80x128xi32, #tpu.memory_space<vmem>>, %arg8: memref<10240x128xi32, #tpu.memory_space<vmem_shared>>, %arg9: memref<!tpu.dma_semaphore, #tpu.memory_space<semaphore_mem>>) attributes {dimension_semantics = [#tpu.dimension_semantics<core_parallel>, #tpu.dimension_semantics<subcore_parallel>], iteration_bounds = array<i64: 2, 16>, scalar_prefetch = 0 : i64, scratch_operands = 4 : i64, tpu.core_type = #tpu.core_type<sc_vector_subcore>, window_params = [{transform_indices = #map}, {transform_indices = #map}, {transform_indices = #map}, {transform_indices = #map}]} {
    %mul3A = arith.constant 16 : i32
    %mul3A_0 = arith.muli %arg0, %mul3A : i32
    %add3A = arith.addi %mul3A_0, %arg1 : i32
    %mul3A_1 = arith.constant 80 : i32
    %mul3A_2 = arith.muli %add3A, %mul3A_1 : i32
    %multiple_of3A = tpu.assume_multiple %mul3A_2, 8 : i32
    %mul3A_3 = arith.constant 16 : i32
    %mul3A_4 = arith.muli %arg0, %mul3A_3 : i32
    %add3A_5 = arith.addi %mul3A_4, %arg1 : i32
    %mul3A_6 = arith.constant 80 : i32
    %mul3A_7 = arith.muli %add3A_5, %mul3A_6 : i32
    %sub3A = arith.constant 2500 : i32
    %sub3A_8 = arith.subi %sub3A, %mul3A_7 : i32
    %min3A = arith.constant 80 : i32
    %min3A_9 = arith.minsi %min3A, %sub3A_8 : i32
    %mul3A_10 = arith.constant 640 : i32
    %mul3A_11 = arith.muli %arg1, %mul3A_10 : i32
    "tpu.region"() ({
      %run_scoped3A = tpu.sem_alloc : memref<!tpu.dma_semaphore, #tpu.memory_space<semaphore_mem>>
      %dma_start3A = arith.constant 0 : i32
      %dma_start3A_32 = tpu.memref_slice %arg8[%mul3A_11, %dma_start3A] : memref<10240x128xi32, #tpu.memory_space<vmem_shared>> -> memref<640x128xi32, #tpu.memory_space<vmem_shared>>
      tpu.enqueue_dma source(%arg4 : memref<640x128xi32, #tpu.memory_space<hbm>>) target(%dma_start3A_32 : memref<640x128xi32, #tpu.memory_space<vmem_shared>>) target_semaphore(%run_scoped3A : memref<!tpu.dma_semaphore, #tpu.memory_space<semaphore_mem>>)
      %dma_wait3A = arith.constant 0 : i32
      %dma_wait3A_33 = tpu.memref_slice %arg8[%mul3A_11, %dma_wait3A] : memref<10240x128xi32, #tpu.memory_space<vmem_shared>> -> memref<640x128xi32, #tpu.memory_space<vmem_shared>>
      tpu.wait_dma2 semaphore(%run_scoped3A : memref<!tpu.dma_semaphore, #tpu.memory_space<semaphore_mem>>) src(%arg4 : memref<640x128xi32, #tpu.memory_space<hbm>>) dst(%dma_wait3A_33 : memref<640x128xi32, #tpu.memory_space<vmem_shared>>)
      tpu.yield
    }) : () -> ()
    "tpu.region"() ({
      %run_scoped3A = tpu.sem_alloc : memref<!tpu.dma_semaphore, #tpu.memory_space<semaphore_mem>>
      tpu.enqueue_dma source(%arg3 : memref<128x128xi32, #tpu.memory_space<hbm>>) target(%arg6 : memref<128x128xi32, #tpu.memory_space<vmem>>) target_semaphore(%run_scoped3A : memref<!tpu.dma_semaphore, #tpu.memory_space<semaphore_mem>>)
      tpu.wait_dma2 semaphore(%run_scoped3A : memref<!tpu.dma_semaphore, #tpu.memory_space<semaphore_mem>>) src(%arg3 : memref<128x128xi32, #tpu.memory_space<hbm>>) dst(%arg6 : memref<128x128xi32, #tpu.memory_space<vmem>>)
      tpu.yield
    }) : () -> ()
    "tpu.region"() ({
      %run_scoped3A = tpu.sem_alloc : memref<!tpu.dma_semaphore, #tpu.memory_space<semaphore_mem>>
      %dma_start3A = arith.constant 0 : i32
      %dma_start3A_32 = tpu.memref_slice %arg2[%multiple_of3A, %dma_start3A] : memref<2560x128xi32, #tpu.memory_space<hbm>> -> memref<80x128xi32, #tpu.memory_space<hbm>>
      %dma_start3A_33 = arith.constant 0 : i32
      %dma_start3A_34 = tpu.memref_slice %arg2[%multiple_of3A, %dma_start3A_33] : memref<2560x128xi32, #tpu.memory_space<hbm>> -> memref<80x128xi32, #tpu.memory_space<hbm>>
      tpu.enqueue_dma source(%dma_start3A_34 : memref<80x128xi32, #tpu.memory_space<hbm>>) target(%arg7 : memref<80x128xi32, #tpu.memory_space<vmem>>) target_semaphore(%run_scoped3A : memref<!tpu.dma_semaphore, #tpu.memory_space<semaphore_mem>>)
      %dma_wait3A = arith.constant 0 : i32
      %dma_wait3A_35 = tpu.memref_slice %arg2[%multiple_of3A, %dma_wait3A] : memref<2560x128xi32, #tpu.memory_space<hbm>> -> memref<80x128xi32, #tpu.memory_space<hbm>>
      %dma_wait3A_36 = arith.constant 0 : i32
      %dma_wait3A_37 = tpu.memref_slice %arg2[%multiple_of3A, %dma_wait3A_36] : memref<2560x128xi32, #tpu.memory_space<hbm>> -> memref<80x128xi32, #tpu.memory_space<hbm>>
      tpu.wait_dma2 semaphore(%run_scoped3A : memref<!tpu.dma_semaphore, #tpu.memory_space<semaphore_mem>>) src(%dma_wait3A_37 : memref<80x128xi32, #tpu.memory_space<hbm>>) dst(%arg7 : memref<80x128xi32, #tpu.memory_space<vmem>>)
      tpu.yield
    }) : () -> ()
    %barrier3A = arith.constant 0 : index
    tpu.barrier barrier_id(%barrier3A)
    %scan3A = arith.constant 0 : i32
    %scan3A_12 = arith.constant 0 : i32
    %scan3A_13 = arith.constant 80 : i32
    %scan3A_14 = arith.addi %scan3A_12, %scan3A_13 : i32
    %scan3A_15 = arith.constant 1 : i32
    scf.for %scan3A_32 = %scan3A_12 to %scan3A_14 step %scan3A_15  : i32 {
      %lt3A = arith.cmpi slt, %scan3A_32, %min3A_9 : i32
      %convert_element_type3A = arith.extui %lt3A : i1 to i32
      %cond3A = arith.constant 0 : i32
      %cond3A_33 = arith.cmpi ne, %convert_element_type3A, %cond3A : i32
      scf.if %cond3A_33 {
        %dma_start3A = arith.constant 0 : i32
        %dma_start3A_40 = tpu.memref_slice %arg7[%scan3A_32, %dma_start3A] : memref<80x128xi32, #tpu.memory_space<vmem>> -> memref<1x128xi32, #tpu.memory_space<vmem>>
        %dma_start3A_41 = tpu.memref_squeeze %dma_start3A_40 : memref<1x128xi32, #tpu.memory_space<vmem>> -> memref<128xi32, #tpu.memory_space<vmem>>
        %dma_start3A_42 = arith.constant 0 : i32
        %dma_start3A_43 = arith.constant 0 : i32
        %dma_start3A_44 = tpu.memref_slice %arg8[%dma_start3A_42, %dma_start3A_43] : memref<10240x128xi32, #tpu.memory_space<vmem_shared>> -> memref<10240x128xi32, #tpu.memory_space<vmem_shared>>
        tpu.enqueue_indirect_dma source(%arg6 : memref<128x128xi32, #tpu.memory_space<vmem>>) target(%dma_start3A_44 : memref<10240x128xi32, #tpu.memory_space<vmem_shared>>) offsets(%dma_start3A_41 : memref<128xi32, #tpu.memory_space<vmem>>) semaphore(%arg9 : memref<!tpu.dma_semaphore, #tpu.memory_space<semaphore_mem>>) {add = true}
      } else {
      }
      %sub3A_34 = arith.constant 12 : i32
      %sub3A_35 = arith.subi %scan3A_32, %sub3A_34 : i32
      %ge3A = arith.constant 0 : i32
      %ge3A_36 = arith.cmpi sge, %sub3A_35, %ge3A : i32
      %convert_element_type3A_37 = arith.extui %ge3A_36 : i1 to i32
      %cond3A_38 = arith.constant 0 : i32
      %cond3A_39 = arith.cmpi ne, %convert_element_type3A_37, %cond3A_38 : i32
      scf.if %cond3A_39 {
        %sub3A_40 = arith.constant 12 : i32
        %sub3A_41 = arith.subi %scan3A_32, %sub3A_40 : i32
        %lt3A_42 = arith.cmpi slt, %sub3A_41, %min3A_9 : i32
        %convert_element_type3A_43 = arith.extui %lt3A_42 : i1 to i32
        %cond3A_44 = arith.constant 0 : i32
        %cond3A_45 = arith.cmpi ne, %convert_element_type3A_43, %cond3A_44 : i32
        scf.if %cond3A_45 {
          %dma_wait3A = arith.constant 0 : i32
          %dma_wait3A_46 = tpu.memref_slice %arg7[%scan3A_32, %dma_wait3A] : memref<80x128xi32, #tpu.memory_space<vmem>> -> memref<1x128xi32, #tpu.memory_space<vmem>>
          %dma_wait3A_47 = tpu.memref_squeeze %dma_wait3A_46 : memref<1x128xi32, #tpu.memory_space<vmem>> -> memref<128xi32, #tpu.memory_space<vmem>>
          %dma_wait3A_48 = arith.constant 0 : i32
          %dma_wait3A_49 = arith.constant 0 : i32
          %dma_wait3A_50 = tpu.memref_slice %arg8[%dma_wait3A_48, %dma_wait3A_49] : memref<10240x128xi32, #tpu.memory_space<vmem_shared>> -> memref<10240x128xi32, #tpu.memory_space<vmem_shared>>
          tpu.wait_indirect_dma semaphore(%arg9 : memref<!tpu.dma_semaphore, #tpu.memory_space<semaphore_mem>>) src(%arg6 : memref<128x128xi32, #tpu.memory_space<vmem>>) dst(%dma_wait3A_50 : memref<10240x128xi32, #tpu.memory_space<vmem_shared>>)
        } else {
        }
      } else {
      }
    }
    %scan3A_16 = arith.constant 80 : i32
    %scan3A_17 = arith.constant 0 : i32
    %scan3A_18 = arith.constant 68 : i32
    %scan3A_19 = arith.constant 12 : i32
    %scan3A_20 = arith.addi %scan3A_18, %scan3A_19 : i32
    %scan3A_21 = arith.constant 1 : i32
    scf.for %scan3A_32 = %scan3A_18 to %scan3A_20 step %scan3A_21  : i32 {
      %lt3A = arith.cmpi slt, %scan3A_32, %min3A_9 : i32
      %convert_element_type3A = arith.extui %lt3A : i1 to i32
      %cond3A = arith.constant 0 : i32
      %cond3A_33 = arith.cmpi ne, %convert_element_type3A, %cond3A : i32
      scf.if %cond3A_33 {
        %dma_wait3A = arith.constant 0 : i32
        %dma_wait3A_34 = tpu.memref_slice %arg7[%scan3A_32, %dma_wait3A] : memref<80x128xi32, #tpu.memory_space<vmem>> -> memref<1x128xi32, #tpu.memory_space<vmem>>
        %dma_wait3A_35 = tpu.memref_squeeze %dma_wait3A_34 : memref<1x128xi32, #tpu.memory_space<vmem>> -> memref<128xi32, #tpu.memory_space<vmem>>
        %dma_wait3A_36 = arith.constant 0 : i32
        %dma_wait3A_37 = arith.constant 0 : i32
        %dma_wait3A_38 = tpu.memref_slice %arg8[%dma_wait3A_36, %dma_wait3A_37] : memref<10240x128xi32, #tpu.memory_space<vmem_shared>> -> memref<10240x128xi32, #tpu.memory_space<vmem_shared>>
        tpu.wait_indirect_dma semaphore(%arg9 : memref<!tpu.dma_semaphore, #tpu.memory_space<semaphore_mem>>) src(%arg6 : memref<128x128xi32, #tpu.memory_space<vmem>>) dst(%dma_wait3A_38 : memref<10240x128xi32, #tpu.memory_space<vmem_shared>>)
      } else {
      }
    }
    %scan3A_22 = arith.constant 12 : i32
    %barrier3A_23 = arith.constant 0 : index
    tpu.barrier barrier_id(%barrier3A_23)
    %mul3A_24 = arith.constant 10240 : i32
    %mul3A_25 = arith.muli %arg0, %mul3A_24 : i32
    %mul3A_26 = arith.constant 640 : i32
    %mul3A_27 = arith.muli %arg1, %mul3A_26 : i32
    %add3A_28 = arith.addi %mul3A_25, %mul3A_27 : i32
    %multiple_of3A_29 = tpu.assume_multiple %add3A_28, 8 : i32
    %mul3A_30 = arith.constant 640 : i32
    %mul3A_31 = arith.muli %arg1, %mul3A_30 : i32
    "tpu.region"() ({
      %run_scoped3A = tpu.sem_alloc : memref<!tpu.dma_semaphore, #tpu.memory_space<semaphore_mem>>
      %dma_start3A = arith.constant 0 : i32
      %dma_start3A_32 = tpu.memref_slice %arg5[%multiple_of3A_29, %dma_start3A] : memref<20480x128xi32, #tpu.memory_space<hbm>> -> memref<640x128xi32, #tpu.memory_space<hbm>>
      %dma_start3A_33 = arith.constant 0 : i32
      %dma_start3A_34 = tpu.memref_slice %arg8[%mul3A_31, %dma_start3A_33] : memref<10240x128xi32, #tpu.memory_space<vmem_shared>> -> memref<640x128xi32, #tpu.memory_space<vmem_shared>>
      tpu.enqueue_dma source(%dma_start3A_34 : memref<640x128xi32, #tpu.memory_space<vmem_shared>>) target(%dma_start3A_32 : memref<640x128xi32, #tpu.memory_space<hbm>>) target_semaphore(%run_scoped3A : memref<!tpu.dma_semaphore, #tpu.memory_space<semaphore_mem>>)
      %dma_wait3A = arith.constant 0 : i32
      %dma_wait3A_35 = tpu.memref_slice %arg5[%multiple_of3A_29, %dma_wait3A] : memref<20480x128xi32, #tpu.memory_space<hbm>> -> memref<640x128xi32, #tpu.memory_space<hbm>>
      %dma_wait3A_36 = arith.constant 0 : i32
      %dma_wait3A_37 = tpu.memref_slice %arg8[%mul3A_31, %dma_wait3A_36] : memref<10240x128xi32, #tpu.memory_space<vmem_shared>> -> memref<640x128xi32, #tpu.memory_space<vmem_shared>>
      tpu.wait_dma2 semaphore(%run_scoped3A : memref<!tpu.dma_semaphore, #tpu.memory_space<semaphore_mem>>) src(%dma_wait3A_37 : memref<640x128xi32, #tpu.memory_space<vmem_shared>>) dst(%dma_wait3A_35 : memref<640x128xi32, #tpu.memory_space<hbm>>)
      tpu.yield
    }) : () -> ()
    return
  }
}

#map = affine_map<(d0, d1) -> (0, 0)>
module attributes {stable_mosaic.version = 14 : i64} {
  func.func @_agg_body(%arg0: i32, %arg1: i32, %arg2: memref<10000x128xf32, #tpu.memory_space<hbm>>, %arg3: memref<2560x128xi32, #tpu.memory_space<hbm>>, %arg4: memref<2560x128xi32, #tpu.memory_space<hbm>>, %arg5: memref<640x128xf32, #tpu.memory_space<hbm>>, %arg6: memref<20480x128xf32, #tpu.memory_space<hbm>>, %arg7: memref<32x128xi32, #tpu.memory_space<vmem>>, %arg8: memref<32x128xi32, #tpu.memory_space<vmem>>, %arg9: memref<128x128xf32, #tpu.memory_space<vmem>>, %arg10: memref<128x128xf32, #tpu.memory_space<vmem>>, %arg11: memref<10240x128xf32, #tpu.memory_space<vmem_shared>>, %arg12: memref<!tpu.dma_semaphore, #tpu.memory_space<semaphore_mem>>, %arg13: memref<!tpu.dma_semaphore, #tpu.memory_space<semaphore_mem>>, %arg14: memref<!tpu.dma_semaphore, #tpu.memory_space<semaphore_mem>>) attributes {dimension_semantics = [#tpu.dimension_semantics<core_parallel>, #tpu.dimension_semantics<subcore_parallel>], iteration_bounds = array<i64: 2, 16>, scalar_prefetch = 0 : i64, scratch_operands = 8 : i64, tpu.core_type = #tpu.core_type<sc_vector_subcore>, window_params = [{transform_indices = #map}, {transform_indices = #map}, {transform_indices = #map}, {transform_indices = #map}, {transform_indices = #map}]} {
    %mul3A = arith.constant 16 : i32
    %mul3A_0 = arith.muli %arg0, %mul3A : i32
    %add3A = arith.addi %mul3A_0, %arg1 : i32
    %mul3A_1 = arith.constant 80 : i32
    %mul3A_2 = arith.muli %add3A, %mul3A_1 : i32
    %multiple_of3A = tpu.assume_multiple %mul3A_2, 8 : i32
    %mul3A_3 = arith.constant 16 : i32
    %mul3A_4 = arith.muli %arg0, %mul3A_3 : i32
    %add3A_5 = arith.addi %mul3A_4, %arg1 : i32
    %mul3A_6 = arith.constant 80 : i32
    %mul3A_7 = arith.muli %add3A_5, %mul3A_6 : i32
    %sub3A = arith.constant 2500 : i32
    %sub3A_8 = arith.subi %sub3A, %mul3A_7 : i32
    %min3A = arith.constant 80 : i32
    %min3A_9 = arith.minsi %min3A, %sub3A_8 : i32
    %mul3A_10 = arith.constant 640 : i32
    %mul3A_11 = arith.muli %arg1, %mul3A_10 : i32
    "tpu.region"() ({
      %run_scoped3A = tpu.sem_alloc : memref<!tpu.dma_semaphore, #tpu.memory_space<semaphore_mem>>
      %dma_start3A_74 = arith.constant 0 : i32
      %dma_start3A_75 = tpu.memref_slice %arg11[%mul3A_11, %dma_start3A_74] : memref<10240x128xf32, #tpu.memory_space<vmem_shared>> -> memref<640x128xf32, #tpu.memory_space<vmem_shared>>
      tpu.enqueue_dma source(%arg5 : memref<640x128xf32, #tpu.memory_space<hbm>>) target(%dma_start3A_75 : memref<640x128xf32, #tpu.memory_space<vmem_shared>>) target_semaphore(%run_scoped3A : memref<!tpu.dma_semaphore, #tpu.memory_space<semaphore_mem>>)
      %dma_wait3A_76 = arith.constant 0 : i32
      %dma_wait3A_77 = tpu.memref_slice %arg11[%mul3A_11, %dma_wait3A_76] : memref<10240x128xf32, #tpu.memory_space<vmem_shared>> -> memref<640x128xf32, #tpu.memory_space<vmem_shared>>
      tpu.wait_dma2 semaphore(%run_scoped3A : memref<!tpu.dma_semaphore, #tpu.memory_space<semaphore_mem>>) src(%arg5 : memref<640x128xf32, #tpu.memory_space<hbm>>) dst(%dma_wait3A_77 : memref<640x128xf32, #tpu.memory_space<vmem_shared>>)
      tpu.yield
    }) : () -> ()
    %and3A = arith.constant 0 : i32
    %and3A_12 = arith.constant 16 : i32
    %and3A_13 = arith.andi %and3A, %and3A_12 : i32
    %add3A_14 = arith.constant 0 : i32
    %add3A_15 = arith.addi %multiple_of3A, %add3A_14 : i32
    %multiple_of3A_16 = tpu.assume_multiple %add3A_15, 8 : i32
    %dma_start3A = arith.constant 0 : i32
    %dma_start3A_17 = tpu.memref_slice %arg7[%and3A_13, %dma_start3A] : memref<32x128xi32, #tpu.memory_space<vmem>> -> memref<16x128xi32, #tpu.memory_space<vmem>>
    %dma_start3A_18 = arith.constant 0 : i32
    %dma_start3A_19 = tpu.memref_slice %arg3[%multiple_of3A_16, %dma_start3A_18] : memref<2560x128xi32, #tpu.memory_space<hbm>> -> memref<16x128xi32, #tpu.memory_space<hbm>>
    %dma_start3A_20 = arith.constant 0 : i32
    %dma_start3A_21 = tpu.memref_slice %arg7[%and3A_13, %dma_start3A_20] : memref<32x128xi32, #tpu.memory_space<vmem>> -> memref<16x128xi32, #tpu.memory_space<vmem>>
    %dma_start3A_22 = arith.constant 0 : i32
    %dma_start3A_23 = tpu.memref_slice %arg3[%multiple_of3A_16, %dma_start3A_22] : memref<2560x128xi32, #tpu.memory_space<hbm>> -> memref<16x128xi32, #tpu.memory_space<hbm>>
    tpu.enqueue_dma source(%dma_start3A_23 : memref<16x128xi32, #tpu.memory_space<hbm>>) target(%dma_start3A_21 : memref<16x128xi32, #tpu.memory_space<vmem>>) target_semaphore(%arg14 : memref<!tpu.dma_semaphore, #tpu.memory_space<semaphore_mem>>)
    %dma_start3A_24 = arith.constant 0 : i32
    %dma_start3A_25 = tpu.memref_slice %arg8[%and3A_13, %dma_start3A_24] : memref<32x128xi32, #tpu.memory_space<vmem>> -> memref<16x128xi32, #tpu.memory_space<vmem>>
    %dma_start3A_26 = arith.constant 0 : i32
    %dma_start3A_27 = tpu.memref_slice %arg4[%multiple_of3A_16, %dma_start3A_26] : memref<2560x128xi32, #tpu.memory_space<hbm>> -> memref<16x128xi32, #tpu.memory_space<hbm>>
    %dma_start3A_28 = arith.constant 0 : i32
    %dma_start3A_29 = tpu.memref_slice %arg8[%and3A_13, %dma_start3A_28] : memref<32x128xi32, #tpu.memory_space<vmem>> -> memref<16x128xi32, #tpu.memory_space<vmem>>
    %dma_start3A_30 = arith.constant 0 : i32
    %dma_start3A_31 = tpu.memref_slice %arg4[%multiple_of3A_16, %dma_start3A_30] : memref<2560x128xi32, #tpu.memory_space<hbm>> -> memref<16x128xi32, #tpu.memory_space<hbm>>
    tpu.enqueue_dma source(%dma_start3A_31 : memref<16x128xi32, #tpu.memory_space<hbm>>) target(%dma_start3A_29 : memref<16x128xi32, #tpu.memory_space<vmem>>) target_semaphore(%arg14 : memref<!tpu.dma_semaphore, #tpu.memory_space<semaphore_mem>>)
    %and3A_32 = arith.constant 0 : i32
    %and3A_33 = arith.constant 16 : i32
    %and3A_34 = arith.andi %and3A_32, %and3A_33 : i32
    %add3A_35 = arith.constant 0 : i32
    %add3A_36 = arith.addi %multiple_of3A, %add3A_35 : i32
    %multiple_of3A_37 = tpu.assume_multiple %add3A_36, 8 : i32
    %dma_wait3A = arith.constant 0 : i32
    %dma_wait3A_38 = tpu.memref_slice %arg7[%and3A_34, %dma_wait3A] : memref<32x128xi32, #tpu.memory_space<vmem>> -> memref<16x128xi32, #tpu.memory_space<vmem>>
    %dma_wait3A_39 = arith.constant 0 : i32
    %dma_wait3A_40 = tpu.memref_slice %arg3[%multiple_of3A_37, %dma_wait3A_39] : memref<2560x128xi32, #tpu.memory_space<hbm>> -> memref<16x128xi32, #tpu.memory_space<hbm>>
    %dma_wait3A_41 = arith.constant 0 : i32
    %dma_wait3A_42 = tpu.memref_slice %arg7[%and3A_34, %dma_wait3A_41] : memref<32x128xi32, #tpu.memory_space<vmem>> -> memref<16x128xi32, #tpu.memory_space<vmem>>
    %dma_wait3A_43 = arith.constant 0 : i32
    %dma_wait3A_44 = tpu.memref_slice %arg3[%multiple_of3A_37, %dma_wait3A_43] : memref<2560x128xi32, #tpu.memory_space<hbm>> -> memref<16x128xi32, #tpu.memory_space<hbm>>
    tpu.wait_dma2 semaphore(%arg14 : memref<!tpu.dma_semaphore, #tpu.memory_space<semaphore_mem>>) src(%dma_wait3A_44 : memref<16x128xi32, #tpu.memory_space<hbm>>) dst(%dma_wait3A_42 : memref<16x128xi32, #tpu.memory_space<vmem>>)
    %dma_wait3A_45 = arith.constant 0 : i32
    %dma_wait3A_46 = tpu.memref_slice %arg8[%and3A_34, %dma_wait3A_45] : memref<32x128xi32, #tpu.memory_space<vmem>> -> memref<16x128xi32, #tpu.memory_space<vmem>>
    %dma_wait3A_47 = arith.constant 0 : i32
    %dma_wait3A_48 = tpu.memref_slice %arg4[%multiple_of3A_37, %dma_wait3A_47] : memref<2560x128xi32, #tpu.memory_space<hbm>> -> memref<16x128xi32, #tpu.memory_space<hbm>>
    %dma_wait3A_49 = arith.constant 0 : i32
    %dma_wait3A_50 = tpu.memref_slice %arg8[%and3A_34, %dma_wait3A_49] : memref<32x128xi32, #tpu.memory_space<vmem>> -> memref<16x128xi32, #tpu.memory_space<vmem>>
    %dma_wait3A_51 = arith.constant 0 : i32
    %dma_wait3A_52 = tpu.memref_slice %arg4[%multiple_of3A_37, %dma_wait3A_51] : memref<2560x128xi32, #tpu.memory_space<hbm>> -> memref<16x128xi32, #tpu.memory_space<hbm>>
    tpu.wait_dma2 semaphore(%arg14 : memref<!tpu.dma_semaphore, #tpu.memory_space<semaphore_mem>>) src(%dma_wait3A_52 : memref<16x128xi32, #tpu.memory_space<hbm>>) dst(%dma_wait3A_50 : memref<16x128xi32, #tpu.memory_space<vmem>>)
    %barrier3A = arith.constant 0 : index
    tpu.barrier barrier_id(%barrier3A)
    %gt3A = arith.constant 0 : i32
    %gt3A_53 = arith.cmpi sgt, %min3A_9, %gt3A : i32
    %convert_element_type3A = arith.extui %gt3A_53 : i1 to i32
    %cond3A = arith.constant 0 : i32
    %cond3A_54 = arith.cmpi ne, %convert_element_type3A, %cond3A : i32
    scf.if %cond3A_54 {
      %and3A_74 = arith.constant 0 : i32
      %and3A_75 = arith.constant 31 : i32
      %and3A_76 = arith.andi %and3A_74, %and3A_75 : i32
      %dma_start3A_77 = arith.constant 0 : i32
      %dma_start3A_78 = tpu.memref_slice %arg7[%and3A_76, %dma_start3A_77] : memref<32x128xi32, #tpu.memory_space<vmem>> -> memref<1x128xi32, #tpu.memory_space<vmem>>
      %dma_start3A_79 = tpu.memref_squeeze %dma_start3A_78 : memref<1x128xi32, #tpu.memory_space<vmem>> -> memref<128xi32, #tpu.memory_space<vmem>>
      %dma_start3A_80 = arith.constant 0 : i32
      %dma_start3A_81 = arith.constant 0 : i32
      %dma_start3A_82 = tpu.memref_slice %arg2[%dma_start3A_80, %dma_start3A_81] : memref<10000x128xf32, #tpu.memory_space<hbm>> -> memref<10000x128xf32, #tpu.memory_space<hbm>>
      tpu.enqueue_indirect_dma source(%dma_start3A_82 : memref<10000x128xf32, #tpu.memory_space<hbm>>) target(%arg9 : memref<128x128xf32, #tpu.memory_space<vmem>>) offsets(%dma_start3A_79 : memref<128xi32, #tpu.memory_space<vmem>>) semaphore(%arg12 : memref<!tpu.dma_semaphore, #tpu.memory_space<semaphore_mem>>)
    } else {
    }
    %gt3A_55 = arith.constant 1 : i32
    %gt3A_56 = arith.cmpi sgt, %min3A_9, %gt3A_55 : i32
    %convert_element_type3A_57 = arith.extui %gt3A_56 : i1 to i32
    %cond3A_58 = arith.constant 0 : i32
    %cond3A_59 = arith.cmpi ne, %convert_element_type3A_57, %cond3A_58 : i32
    scf.if %cond3A_59 {
      %and3A_74 = arith.constant 1 : i32
      %and3A_75 = arith.constant 31 : i32
      %and3A_76 = arith.andi %and3A_74, %and3A_75 : i32
      %dma_start3A_77 = arith.constant 0 : i32
      %dma_start3A_78 = tpu.memref_slice %arg7[%and3A_76, %dma_start3A_77] : memref<32x128xi32, #tpu.memory_space<vmem>> -> memref<1x128xi32, #tpu.memory_space<vmem>>
      %dma_start3A_79 = tpu.memref_squeeze %dma_start3A_78 : memref<1x128xi32, #tpu.memory_space<vmem>> -> memref<128xi32, #tpu.memory_space<vmem>>
      %dma_start3A_80 = arith.constant 0 : i32
      %dma_start3A_81 = arith.constant 0 : i32
      %dma_start3A_82 = tpu.memref_slice %arg2[%dma_start3A_80, %dma_start3A_81] : memref<10000x128xf32, #tpu.memory_space<hbm>> -> memref<10000x128xf32, #tpu.memory_space<hbm>>
      tpu.enqueue_indirect_dma source(%dma_start3A_82 : memref<10000x128xf32, #tpu.memory_space<hbm>>) target(%arg10 : memref<128x128xf32, #tpu.memory_space<vmem>>) offsets(%dma_start3A_79 : memref<128xi32, #tpu.memory_space<vmem>>) semaphore(%arg13 : memref<!tpu.dma_semaphore, #tpu.memory_space<semaphore_mem>>)
    } else {
    }
    %scan3A = arith.constant 0 : i32
    %scan3A_60 = arith.constant 0 : i32
    %scan3A_61 = arith.constant 40 : i32
    %scan3A_62 = arith.addi %scan3A_60, %scan3A_61 : i32
    %scan3A_63 = arith.constant 1 : i32
    scf.for %scan3A_74 = %scan3A_60 to %scan3A_62 step %scan3A_63  : i32 {
      %mul3A_75 = arith.constant 2 : i32
      %mul3A_76 = arith.muli %mul3A_75, %scan3A_74 : i32
      %and3A_77 = arith.constant 15 : i32
      %and3A_78 = arith.andi %mul3A_76, %and3A_77 : i32
      %eq3A = arith.constant 0 : i32
      %eq3A_79 = arith.cmpi eq, %and3A_78, %eq3A : i32
      %add3A_80 = arith.constant 16 : i32
      %add3A_81 = arith.addi %mul3A_76, %add3A_80 : i32
      %lt3A = arith.cmpi slt, %add3A_81, %min3A_9 : i32
      %and3A_82 = arith.andi %eq3A_79, %lt3A : i1
      %convert_element_type3A_83 = arith.extui %and3A_82 : i1 to i32
      %cond3A_84 = arith.constant 0 : i32
      %cond3A_85 = arith.cmpi ne, %convert_element_type3A_83, %cond3A_84 : i32
      scf.if %cond3A_85 {
        %add3A_121 = arith.constant 16 : i32
        %add3A_122 = arith.addi %mul3A_76, %add3A_121 : i32
        %and3A_123 = arith.constant 16 : i32
        %and3A_124 = arith.andi %add3A_122, %and3A_123 : i32
        %add3A_125 = arith.addi %multiple_of3A, %add3A_122 : i32
        %multiple_of3A_126 = tpu.assume_multiple %add3A_125, 8 : i32
        %dma_start3A_127 = arith.constant 0 : i32
        %dma_start3A_128 = tpu.memref_slice %arg7[%and3A_124, %dma_start3A_127] : memref<32x128xi32, #tpu.memory_space<vmem>> -> memref<16x128xi32, #tpu.memory_space<vmem>>
        %dma_start3A_129 = arith.constant 0 : i32
        %dma_start3A_130 = tpu.memref_slice %arg3[%multiple_of3A_126, %dma_start3A_129] : memref<2560x128xi32, #tpu.memory_space<hbm>> -> memref<16x128xi32, #tpu.memory_space<hbm>>
        %dma_start3A_131 = arith.constant 0 : i32
        %dma_start3A_132 = tpu.memref_slice %arg7[%and3A_124, %dma_start3A_131] : memref<32x128xi32, #tpu.memory_space<vmem>> -> memref<16x128xi32, #tpu.memory_space<vmem>>
        %dma_start3A_133 = arith.constant 0 : i32
        %dma_start3A_134 = tpu.memref_slice %arg3[%multiple_of3A_126, %dma_start3A_133] : memref<2560x128xi32, #tpu.memory_space<hbm>> -> memref<16x128xi32, #tpu.memory_space<hbm>>
        tpu.enqueue_dma source(%dma_start3A_134 : memref<16x128xi32, #tpu.memory_space<hbm>>) target(%dma_start3A_132 : memref<16x128xi32, #tpu.memory_space<vmem>>) target_semaphore(%arg14 : memref<!tpu.dma_semaphore, #tpu.memory_space<semaphore_mem>>)
        %dma_start3A_135 = arith.constant 0 : i32
        %dma_start3A_136 = tpu.memref_slice %arg8[%and3A_124, %dma_start3A_135] : memref<32x128xi32, #tpu.memory_space<vmem>> -> memref<16x128xi32, #tpu.memory_space<vmem>>
        %dma_start3A_137 = arith.constant 0 : i32
        %dma_start3A_138 = tpu.memref_slice %arg4[%multiple_of3A_126, %dma_start3A_137] : memref<2560x128xi32, #tpu.memory_space<hbm>> -> memref<16x128xi32, #tpu.memory_space<hbm>>
        %dma_start3A_139 = arith.constant 0 : i32
        %dma_start3A_140 = tpu.memref_slice %arg8[%and3A_124, %dma_start3A_139] : memref<32x128xi32, #tpu.memory_space<vmem>> -> memref<16x128xi32, #tpu.memory_space<vmem>>
        %dma_start3A_141 = arith.constant 0 : i32
        %dma_start3A_142 = tpu.memref_slice %arg4[%multiple_of3A_126, %dma_start3A_141] : memref<2560x128xi32, #tpu.memory_space<hbm>> -> memref<16x128xi32, #tpu.memory_space<hbm>>
        tpu.enqueue_dma source(%dma_start3A_142 : memref<16x128xi32, #tpu.memory_space<hbm>>) target(%dma_start3A_140 : memref<16x128xi32, #tpu.memory_space<vmem>>) target_semaphore(%arg14 : memref<!tpu.dma_semaphore, #tpu.memory_space<semaphore_mem>>)
      } else {
      }
      %and3A_86 = arith.constant 15 : i32
      %and3A_87 = arith.andi %mul3A_76, %and3A_86 : i32
      %eq3A_88 = arith.constant 14 : i32
      %eq3A_89 = arith.cmpi eq, %and3A_87, %eq3A_88 : i32
      %add3A_90 = arith.constant 2 : i32
      %add3A_91 = arith.addi %mul3A_76, %add3A_90 : i32
      %lt3A_92 = arith.cmpi slt, %add3A_91, %min3A_9 : i32
      %and3A_93 = arith.andi %eq3A_89, %lt3A_92 : i1
      %convert_element_type3A_94 = arith.extui %and3A_93 : i1 to i32
      %cond3A_95 = arith.constant 0 : i32
      %cond3A_96 = arith.cmpi ne, %convert_element_type3A_94, %cond3A_95 : i32
      scf.if %cond3A_96 {
        %add3A_121 = arith.constant 2 : i32
        %add3A_122 = arith.addi %mul3A_76, %add3A_121 : i32
        %and3A_123 = arith.constant 16 : i32
        %and3A_124 = arith.andi %add3A_122, %and3A_123 : i32
        %add3A_125 = arith.addi %multiple_of3A, %add3A_122 : i32
        %multiple_of3A_126 = tpu.assume_multiple %add3A_125, 8 : i32
        %dma_wait3A_127 = arith.constant 0 : i32
        %dma_wait3A_128 = tpu.memref_slice %arg7[%and3A_124, %dma_wait3A_127] : memref<32x128xi32, #tpu.memory_space<vmem>> -> memref<16x128xi32, #tpu.memory_space<vmem>>
        %dma_wait3A_129 = arith.constant 0 : i32
        %dma_wait3A_130 = tpu.memref_slice %arg3[%multiple_of3A_126, %dma_wait3A_129] : memref<2560x128xi32, #tpu.memory_space<hbm>> -> memref<16x128xi32, #tpu.memory_space<hbm>>
        %dma_wait3A_131 = arith.constant 0 : i32
        %dma_wait3A_132 = tpu.memref_slice %arg7[%and3A_124, %dma_wait3A_131] : memref<32x128xi32, #tpu.memory_space<vmem>> -> memref<16x128xi32, #tpu.memory_space<vmem>>
        %dma_wait3A_133 = arith.constant 0 : i32
        %dma_wait3A_134 = tpu.memref_slice %arg3[%multiple_of3A_126, %dma_wait3A_133] : memref<2560x128xi32, #tpu.memory_space<hbm>> -> memref<16x128xi32, #tpu.memory_space<hbm>>
        tpu.wait_dma2 semaphore(%arg14 : memref<!tpu.dma_semaphore, #tpu.memory_space<semaphore_mem>>) src(%dma_wait3A_134 : memref<16x128xi32, #tpu.memory_space<hbm>>) dst(%dma_wait3A_132 : memref<16x128xi32, #tpu.memory_space<vmem>>)
        %dma_wait3A_135 = arith.constant 0 : i32
        %dma_wait3A_136 = tpu.memref_slice %arg8[%and3A_124, %dma_wait3A_135] : memref<32x128xi32, #tpu.memory_space<vmem>> -> memref<16x128xi32, #tpu.memory_space<vmem>>
        %dma_wait3A_137 = arith.constant 0 : i32
        %dma_wait3A_138 = tpu.memref_slice %arg4[%multiple_of3A_126, %dma_wait3A_137] : memref<2560x128xi32, #tpu.memory_space<hbm>> -> memref<16x128xi32, #tpu.memory_space<hbm>>
        %dma_wait3A_139 = arith.constant 0 : i32
        %dma_wait3A_140 = tpu.memref_slice %arg8[%and3A_124, %dma_wait3A_139] : memref<32x128xi32, #tpu.memory_space<vmem>> -> memref<16x128xi32, #tpu.memory_space<vmem>>
        %dma_wait3A_141 = arith.constant 0 : i32
        %dma_wait3A_142 = tpu.memref_slice %arg4[%multiple_of3A_126, %dma_wait3A_141] : memref<2560x128xi32, #tpu.memory_space<hbm>> -> memref<16x128xi32, #tpu.memory_space<hbm>>
        tpu.wait_dma2 semaphore(%arg14 : memref<!tpu.dma_semaphore, #tpu.memory_space<semaphore_mem>>) src(%dma_wait3A_142 : memref<16x128xi32, #tpu.memory_space<hbm>>) dst(%dma_wait3A_140 : memref<16x128xi32, #tpu.memory_space<vmem>>)
      } else {
      }
      %add3A_97 = arith.constant 0 : i32
      %add3A_98 = arith.addi %mul3A_76, %add3A_97 : i32
      %lt3A_99 = arith.cmpi slt, %add3A_98, %min3A_9 : i32
      %convert_element_type3A_100 = arith.extui %lt3A_99 : i1 to i32
      %cond3A_101 = arith.constant 0 : i32
      %cond3A_102 = arith.cmpi ne, %convert_element_type3A_100, %cond3A_101 : i32
      scf.if %cond3A_102 {
        %and3A_121 = arith.constant 31 : i32
        %and3A_122 = arith.andi %add3A_98, %and3A_121 : i32
        %dma_wait3A_123 = arith.constant 0 : i32
        %dma_wait3A_124 = tpu.memref_slice %arg7[%and3A_122, %dma_wait3A_123] : memref<32x128xi32, #tpu.memory_space<vmem>> -> memref<1x128xi32, #tpu.memory_space<vmem>>
        %dma_wait3A_125 = tpu.memref_squeeze %dma_wait3A_124 : memref<1x128xi32, #tpu.memory_space<vmem>> -> memref<128xi32, #tpu.memory_space<vmem>>
        %dma_wait3A_126 = arith.constant 0 : i32
        %dma_wait3A_127 = arith.constant 0 : i32
        %dma_wait3A_128 = tpu.memref_slice %arg2[%dma_wait3A_126, %dma_wait3A_127] : memref<10000x128xf32, #tpu.memory_space<hbm>> -> memref<10000x128xf32, #tpu.memory_space<hbm>>
        tpu.wait_indirect_dma semaphore(%arg12 : memref<!tpu.dma_semaphore, #tpu.memory_space<semaphore_mem>>) src(%dma_wait3A_128 : memref<10000x128xf32, #tpu.memory_space<hbm>>) dst(%arg9 : memref<128x128xf32, #tpu.memory_space<vmem>>)
        %and3A_129 = arith.constant 31 : i32
        %and3A_130 = arith.andi %add3A_98, %and3A_129 : i32
        "tpu.region"() ({
          %run_scoped3A = tpu.sem_alloc : memref<!tpu.dma_semaphore, #tpu.memory_space<semaphore_mem>>
          %dma_start3A_131 = arith.constant 0 : i32
          %dma_start3A_132 = tpu.memref_slice %arg8[%and3A_130, %dma_start3A_131] : memref<32x128xi32, #tpu.memory_space<vmem>> -> memref<1x128xi32, #tpu.memory_space<vmem>>
          %dma_start3A_133 = tpu.memref_squeeze %dma_start3A_132 : memref<1x128xi32, #tpu.memory_space<vmem>> -> memref<128xi32, #tpu.memory_space<vmem>>
          %dma_start3A_134 = arith.constant 0 : i32
          %dma_start3A_135 = arith.constant 0 : i32
          %dma_start3A_136 = tpu.memref_slice %arg11[%dma_start3A_134, %dma_start3A_135] : memref<10240x128xf32, #tpu.memory_space<vmem_shared>> -> memref<10240x128xf32, #tpu.memory_space<vmem_shared>>
          tpu.enqueue_indirect_dma source(%arg9 : memref<128x128xf32, #tpu.memory_space<vmem>>) target(%dma_start3A_136 : memref<10240x128xf32, #tpu.memory_space<vmem_shared>>) offsets(%dma_start3A_133 : memref<128xi32, #tpu.memory_space<vmem>>) semaphore(%run_scoped3A : memref<!tpu.dma_semaphore, #tpu.memory_space<semaphore_mem>>) {add = true}
          %dma_wait3A_137 = arith.constant 0 : i32
          %dma_wait3A_138 = tpu.memref_slice %arg8[%and3A_130, %dma_wait3A_137] : memref<32x128xi32, #tpu.memory_space<vmem>> -> memref<1x128xi32, #tpu.memory_space<vmem>>
          %dma_wait3A_139 = tpu.memref_squeeze %dma_wait3A_138 : memref<1x128xi32, #tpu.memory_space<vmem>> -> memref<128xi32, #tpu.memory_space<vmem>>
          %dma_wait3A_140 = arith.constant 0 : i32
          %dma_wait3A_141 = arith.constant 0 : i32
          %dma_wait3A_142 = tpu.memref_slice %arg11[%dma_wait3A_140, %dma_wait3A_141] : memref<10240x128xf32, #tpu.memory_space<vmem_shared>> -> memref<10240x128xf32, #tpu.memory_space<vmem_shared>>
          tpu.wait_indirect_dma semaphore(%run_scoped3A : memref<!tpu.dma_semaphore, #tpu.memory_space<semaphore_mem>>) src(%arg9 : memref<128x128xf32, #tpu.memory_space<vmem>>) dst(%dma_wait3A_142 : memref<10240x128xf32, #tpu.memory_space<vmem_shared>>)
          tpu.yield
        }) : () -> ()
      } else {
      }
      %add3A_103 = arith.constant 2 : i32
      %add3A_104 = arith.addi %add3A_98, %add3A_103 : i32
      %lt3A_105 = arith.cmpi slt, %add3A_104, %min3A_9 : i32
      %convert_element_type3A_106 = arith.extui %lt3A_105 : i1 to i32
      %cond3A_107 = arith.constant 0 : i32
      %cond3A_108 = arith.cmpi ne, %convert_element_type3A_106, %cond3A_107 : i32
      scf.if %cond3A_108 {
        %add3A_121 = arith.constant 2 : i32
        %add3A_122 = arith.addi %add3A_98, %add3A_121 : i32
        %and3A_123 = arith.constant 31 : i32
        %and3A_124 = arith.andi %add3A_122, %and3A_123 : i32
        %dma_start3A_125 = arith.constant 0 : i32
        %dma_start3A_126 = tpu.memref_slice %arg7[%and3A_124, %dma_start3A_125] : memref<32x128xi32, #tpu.memory_space<vmem>> -> memref<1x128xi32, #tpu.memory_space<vmem>>
        %dma_start3A_127 = tpu.memref_squeeze %dma_start3A_126 : memref<1x128xi32, #tpu.memory_space<vmem>> -> memref<128xi32, #tpu.memory_space<vmem>>
        %dma_start3A_128 = arith.constant 0 : i32
        %dma_start3A_129 = arith.constant 0 : i32
        %dma_start3A_130 = tpu.memref_slice %arg2[%dma_start3A_128, %dma_start3A_129] : memref<10000x128xf32, #tpu.memory_space<hbm>> -> memref<10000x128xf32, #tpu.memory_space<hbm>>
        tpu.enqueue_indirect_dma source(%dma_start3A_130 : memref<10000x128xf32, #tpu.memory_space<hbm>>) target(%arg9 : memref<128x128xf32, #tpu.memory_space<vmem>>) offsets(%dma_start3A_127 : memref<128xi32, #tpu.memory_space<vmem>>) semaphore(%arg12 : memref<!tpu.dma_semaphore, #tpu.memory_space<semaphore_mem>>)
      } else {
      }
      %add3A_109 = arith.constant 1 : i32
      %add3A_110 = arith.addi %mul3A_76, %add3A_109 : i32
      %lt3A_111 = arith.cmpi slt, %add3A_110, %min3A_9 : i32
      %convert_element_type3A_112 = arith.extui %lt3A_111 : i1 to i32
      %cond3A_113 = arith.constant 0 : i32
      %cond3A_114 = arith.cmpi ne, %convert_element_type3A_112, %cond3A_113 : i32
      scf.if %cond3A_114 {
        %and3A_121 = arith.constant 31 : i32
        %and3A_122 = arith.andi %add3A_110, %and3A_121 : i32
        %dma_wait3A_123 = arith.constant 0 : i32
        %dma_wait3A_124 = tpu.memref_slice %arg7[%and3A_122, %dma_wait3A_123] : memref<32x128xi32, #tpu.memory_space<vmem>> -> memref<1x128xi32, #tpu.memory_space<vmem>>
        %dma_wait3A_125 = tpu.memref_squeeze %dma_wait3A_124 : memref<1x128xi32, #tpu.memory_space<vmem>> -> memref<128xi32, #tpu.memory_space<vmem>>
        %dma_wait3A_126 = arith.constant 0 : i32
        %dma_wait3A_127 = arith.constant 0 : i32
        %dma_wait3A_128 = tpu.memref_slice %arg2[%dma_wait3A_126, %dma_wait3A_127] : memref<10000x128xf32, #tpu.memory_space<hbm>> -> memref<10000x128xf32, #tpu.memory_space<hbm>>
        tpu.wait_indirect_dma semaphore(%arg13 : memref<!tpu.dma_semaphore, #tpu.memory_space<semaphore_mem>>) src(%dma_wait3A_128 : memref<10000x128xf32, #tpu.memory_space<hbm>>) dst(%arg10 : memref<128x128xf32, #tpu.memory_space<vmem>>)
        %and3A_129 = arith.constant 31 : i32
        %and3A_130 = arith.andi %add3A_110, %and3A_129 : i32
        "tpu.region"() ({
          %run_scoped3A = tpu.sem_alloc : memref<!tpu.dma_semaphore, #tpu.memory_space<semaphore_mem>>
          %dma_start3A_131 = arith.constant 0 : i32
          %dma_start3A_132 = tpu.memref_slice %arg8[%and3A_130, %dma_start3A_131] : memref<32x128xi32, #tpu.memory_space<vmem>> -> memref<1x128xi32, #tpu.memory_space<vmem>>
          %dma_start3A_133 = tpu.memref_squeeze %dma_start3A_132 : memref<1x128xi32, #tpu.memory_space<vmem>> -> memref<128xi32, #tpu.memory_space<vmem>>
          %dma_start3A_134 = arith.constant 0 : i32
          %dma_start3A_135 = arith.constant 0 : i32
          %dma_start3A_136 = tpu.memref_slice %arg11[%dma_start3A_134, %dma_start3A_135] : memref<10240x128xf32, #tpu.memory_space<vmem_shared>> -> memref<10240x128xf32, #tpu.memory_space<vmem_shared>>
          tpu.enqueue_indirect_dma source(%arg10 : memref<128x128xf32, #tpu.memory_space<vmem>>) target(%dma_start3A_136 : memref<10240x128xf32, #tpu.memory_space<vmem_shared>>) offsets(%dma_start3A_133 : memref<128xi32, #tpu.memory_space<vmem>>) semaphore(%run_scoped3A : memref<!tpu.dma_semaphore, #tpu.memory_space<semaphore_mem>>) {add = true}
          %dma_wait3A_137 = arith.constant 0 : i32
          %dma_wait3A_138 = tpu.memref_slice %arg8[%and3A_130, %dma_wait3A_137] : memref<32x128xi32, #tpu.memory_space<vmem>> -> memref<1x128xi32, #tpu.memory_space<vmem>>
          %dma_wait3A_139 = tpu.memref_squeeze %dma_wait3A_138 : memref<1x128xi32, #tpu.memory_space<vmem>> -> memref<128xi32, #tpu.memory_space<vmem>>
          %dma_wait3A_140 = arith.constant 0 : i32
          %dma_wait3A_141 = arith.constant 0 : i32
          %dma_wait3A_142 = tpu.memref_slice %arg11[%dma_wait3A_140, %dma_wait3A_141] : memref<10240x128xf32, #tpu.memory_space<vmem_shared>> -> memref<10240x128xf32, #tpu.memory_space<vmem_shared>>
          tpu.wait_indirect_dma semaphore(%run_scoped3A : memref<!tpu.dma_semaphore, #tpu.memory_space<semaphore_mem>>) src(%arg10 : memref<128x128xf32, #tpu.memory_space<vmem>>) dst(%dma_wait3A_142 : memref<10240x128xf32, #tpu.memory_space<vmem_shared>>)
          tpu.yield
        }) : () -> ()
      } else {
      }
      %add3A_115 = arith.constant 2 : i32
      %add3A_116 = arith.addi %add3A_110, %add3A_115 : i32
      %lt3A_117 = arith.cmpi slt, %add3A_116, %min3A_9 : i32
      %convert_element_type3A_118 = arith.extui %lt3A_117 : i1 to i32
      %cond3A_119 = arith.constant 0 : i32
      %cond3A_120 = arith.cmpi ne, %convert_element_type3A_118, %cond3A_119 : i32
      scf.if %cond3A_120 {
        %add3A_121 = arith.constant 2 : i32
        %add3A_122 = arith.addi %add3A_110, %add3A_121 : i32
        %and3A_123 = arith.constant 31 : i32
        %and3A_124 = arith.andi %add3A_122, %and3A_123 : i32
        %dma_start3A_125 = arith.constant 0 : i32
        %dma_start3A_126 = tpu.memref_slice %arg7[%and3A_124, %dma_start3A_125] : memref<32x128xi32, #tpu.memory_space<vmem>> -> memref<1x128xi32, #tpu.memory_space<vmem>>
        %dma_start3A_127 = tpu.memref_squeeze %dma_start3A_126 : memref<1x128xi32, #tpu.memory_space<vmem>> -> memref<128xi32, #tpu.memory_space<vmem>>
        %dma_start3A_128 = arith.constant 0 : i32
        %dma_start3A_129 = arith.constant 0 : i32
        %dma_start3A_130 = tpu.memref_slice %arg2[%dma_start3A_128, %dma_start3A_129] : memref<10000x128xf32, #tpu.memory_space<hbm>> -> memref<10000x128xf32, #tpu.memory_space<hbm>>
        tpu.enqueue_indirect_dma source(%dma_start3A_130 : memref<10000x128xf32, #tpu.memory_space<hbm>>) target(%arg10 : memref<128x128xf32, #tpu.memory_space<vmem>>) offsets(%dma_start3A_127 : memref<128xi32, #tpu.memory_space<vmem>>) semaphore(%arg13 : memref<!tpu.dma_semaphore, #tpu.memory_space<semaphore_mem>>)
      } else {
      }
    }
    %scan3A_64 = arith.constant 40 : i32
    %barrier3A_65 = arith.constant 0 : index
    tpu.barrier barrier_id(%barrier3A_65)
    %mul3A_66 = arith.constant 10240 : i32
    %mul3A_67 = arith.muli %arg0, %mul3A_66 : i32
    %mul3A_68 = arith.constant 640 : i32
    %mul3A_69 = arith.muli %arg1, %mul3A_68 : i32
    %add3A_70 = arith.addi %mul3A_67, %mul3A_69 : i32
    %multiple_of3A_71 = tpu.assume_multiple %add3A_70, 8 : i32
    %mul3A_72 = arith.constant 640 : i32
    %mul3A_73 = arith.muli %arg1, %mul3A_72 : i32
    "tpu.region"() ({
      %run_scoped3A = tpu.sem_alloc : memref<!tpu.dma_semaphore, #tpu.memory_space<semaphore_mem>>
      %dma_start3A_74 = arith.constant 0 : i32
      %dma_start3A_75 = tpu.memref_slice %arg6[%multiple_of3A_71, %dma_start3A_74] : memref<20480x128xf32, #tpu.memory_space<hbm>> -> memref<640x128xf32, #tpu.memory_space<hbm>>
      %dma_start3A_76 = arith.constant 0 : i32
      %dma_start3A_77 = tpu.memref_slice %arg11[%mul3A_73, %dma_start3A_76] : memref<10240x128xf32, #tpu.memory_space<vmem_shared>> -> memref<640x128xf32, #tpu.memory_space<vmem_shared>>
      tpu.enqueue_dma source(%dma_start3A_77 : memref<640x128xf32, #tpu.memory_space<vmem_shared>>) target(%dma_start3A_75 : memref<640x128xf32, #tpu.memory_space<hbm>>) target_semaphore(%run_scoped3A : memref<!tpu.dma_semaphore, #tpu.memory_space<semaphore_mem>>)
      %dma_wait3A_78 = arith.constant 0 : i32
      %dma_wait3A_79 = tpu.memref_slice %arg6[%multiple_of3A_71, %dma_wait3A_78] : memref<20480x128xf32, #tpu.memory_space<hbm>> -> memref<640x128xf32, #tpu.memory_space<hbm>>
      %dma_wait3A_80 = arith.constant 0 : i32
      %dma_wait3A_81 = tpu.memref_slice %arg11[%mul3A_73, %dma_wait3A_80] : memref<10240x128xf32, #tpu.memory_space<vmem_shared>> -> memref<640x128xf32, #tpu.memory_space<vmem_shared>>
      tpu.wait_dma2 semaphore(%run_scoped3A : memref<!tpu.dma_semaphore, #tpu.memory_space<semaphore_mem>>) src(%dma_wait3A_81 : memref<640x128xf32, #tpu.memory_space<vmem_shared>>) dst(%dma_wait3A_79 : memref<640x128xf32, #tpu.memory_space<hbm>>)
      tpu.yield
    }) : () -> ()
    return
  }
}

#map = affine_map<(d0, d1) -> (0, 0)>
module attributes {stable_mosaic.version = 14 : i64} {
  func.func @_agg_body(%arg0: i32, %arg1: i32, %arg2: memref<10000x128xf32, #tpu.memory_space<hbm>>, %arg3: memref<2560x128xi32, #tpu.memory_space<hbm>>, %arg4: memref<2560x128xi32, #tpu.memory_space<hbm>>, %arg5: memref<640x128xf32, #tpu.memory_space<hbm>>, %arg6: memref<20480x128xf32, #tpu.memory_space<hbm>>, %arg7: memref<32x128xi32, #tpu.memory_space<vmem>>, %arg8: memref<32x128xi32, #tpu.memory_space<vmem>>, %arg9: memref<128x128xf32, #tpu.memory_space<vmem>>, %arg10: memref<128x128xf32, #tpu.memory_space<vmem>>, %arg11: memref<10240x128xf32, #tpu.memory_space<vmem_shared>>, %arg12: memref<!tpu.dma_semaphore, #tpu.memory_space<semaphore_mem>>, %arg13: memref<!tpu.dma_semaphore, #tpu.memory_space<semaphore_mem>>, %arg14: memref<!tpu.dma_semaphore, #tpu.memory_space<semaphore_mem>>) attributes {dimension_semantics = [#tpu.dimension_semantics<core_parallel>, #tpu.dimension_semantics<subcore_parallel>], iteration_bounds = array<i64: 2, 16>, scalar_prefetch = 0 : i64, scratch_operands = 8 : i64, tpu.core_type = #tpu.core_type<sc_vector_subcore>, window_params = [{transform_indices = #map}, {transform_indices = #map}, {transform_indices = #map}, {transform_indices = #map}, {transform_indices = #map}]} {
    %mul3A = arith.constant 16 : i32
    %mul3A_0 = arith.muli %arg0, %mul3A : i32
    %add3A = arith.addi %mul3A_0, %arg1 : i32
    %mul3A_1 = arith.constant 80 : i32
    %mul3A_2 = arith.muli %add3A, %mul3A_1 : i32
    %multiple_of3A = tpu.assume_multiple %mul3A_2, 8 : i32
    %mul3A_3 = arith.constant 16 : i32
    %mul3A_4 = arith.muli %arg0, %mul3A_3 : i32
    %add3A_5 = arith.addi %mul3A_4, %arg1 : i32
    %mul3A_6 = arith.constant 80 : i32
    %mul3A_7 = arith.muli %add3A_5, %mul3A_6 : i32
    %sub3A = arith.constant 2500 : i32
    %sub3A_8 = arith.subi %sub3A, %mul3A_7 : i32
    %min3A = arith.constant 80 : i32
    %min3A_9 = arith.minsi %min3A, %sub3A_8 : i32
    %mul3A_10 = arith.constant 640 : i32
    %mul3A_11 = arith.muli %arg1, %mul3A_10 : i32
    "tpu.region"() ({
      %run_scoped3A = tpu.sem_alloc : memref<!tpu.dma_semaphore, #tpu.memory_space<semaphore_mem>>
      %dma_start3A_74 = arith.constant 0 : i32
      %dma_start3A_75 = tpu.memref_slice %arg11[%mul3A_11, %dma_start3A_74] : memref<10240x128xf32, #tpu.memory_space<vmem_shared>> -> memref<640x128xf32, #tpu.memory_space<vmem_shared>>
      tpu.enqueue_dma source(%arg5 : memref<640x128xf32, #tpu.memory_space<hbm>>) target(%dma_start3A_75 : memref<640x128xf32, #tpu.memory_space<vmem_shared>>) target_semaphore(%run_scoped3A : memref<!tpu.dma_semaphore, #tpu.memory_space<semaphore_mem>>)
      %dma_wait3A_76 = arith.constant 0 : i32
      %dma_wait3A_77 = tpu.memref_slice %arg11[%mul3A_11, %dma_wait3A_76] : memref<10240x128xf32, #tpu.memory_space<vmem_shared>> -> memref<640x128xf32, #tpu.memory_space<vmem_shared>>
      tpu.wait_dma2 semaphore(%run_scoped3A : memref<!tpu.dma_semaphore, #tpu.memory_space<semaphore_mem>>) src(%arg5 : memref<640x128xf32, #tpu.memory_space<hbm>>) dst(%dma_wait3A_77 : memref<640x128xf32, #tpu.memory_space<vmem_shared>>)
      tpu.yield
    }) : () -> ()
    %and3A = arith.constant 0 : i32
    %and3A_12 = arith.constant 16 : i32
    %and3A_13 = arith.andi %and3A, %and3A_12 : i32
    %add3A_14 = arith.constant 0 : i32
    %add3A_15 = arith.addi %multiple_of3A, %add3A_14 : i32
    %multiple_of3A_16 = tpu.assume_multiple %add3A_15, 8 : i32
    %dma_start3A = arith.constant 0 : i32
    %dma_start3A_17 = tpu.memref_slice %arg7[%and3A_13, %dma_start3A] : memref<32x128xi32, #tpu.memory_space<vmem>> -> memref<16x128xi32, #tpu.memory_space<vmem>>
    %dma_start3A_18 = arith.constant 0 : i32
    %dma_start3A_19 = tpu.memref_slice %arg3[%multiple_of3A_16, %dma_start3A_18] : memref<2560x128xi32, #tpu.memory_space<hbm>> -> memref<16x128xi32, #tpu.memory_space<hbm>>
    %dma_start3A_20 = arith.constant 0 : i32
    %dma_start3A_21 = tpu.memref_slice %arg7[%and3A_13, %dma_start3A_20] : memref<32x128xi32, #tpu.memory_space<vmem>> -> memref<16x128xi32, #tpu.memory_space<vmem>>
    %dma_start3A_22 = arith.constant 0 : i32
    %dma_start3A_23 = tpu.memref_slice %arg3[%multiple_of3A_16, %dma_start3A_22] : memref<2560x128xi32, #tpu.memory_space<hbm>> -> memref<16x128xi32, #tpu.memory_space<hbm>>
    tpu.enqueue_dma source(%dma_start3A_23 : memref<16x128xi32, #tpu.memory_space<hbm>>) target(%dma_start3A_21 : memref<16x128xi32, #tpu.memory_space<vmem>>) target_semaphore(%arg14 : memref<!tpu.dma_semaphore, #tpu.memory_space<semaphore_mem>>)
    %dma_start3A_24 = arith.constant 0 : i32
    %dma_start3A_25 = tpu.memref_slice %arg8[%and3A_13, %dma_start3A_24] : memref<32x128xi32, #tpu.memory_space<vmem>> -> memref<16x128xi32, #tpu.memory_space<vmem>>
    %dma_start3A_26 = arith.constant 0 : i32
    %dma_start3A_27 = tpu.memref_slice %arg4[%multiple_of3A_16, %dma_start3A_26] : memref<2560x128xi32, #tpu.memory_space<hbm>> -> memref<16x128xi32, #tpu.memory_space<hbm>>
    %dma_start3A_28 = arith.constant 0 : i32
    %dma_start3A_29 = tpu.memref_slice %arg8[%and3A_13, %dma_start3A_28] : memref<32x128xi32, #tpu.memory_space<vmem>> -> memref<16x128xi32, #tpu.memory_space<vmem>>
    %dma_start3A_30 = arith.constant 0 : i32
    %dma_start3A_31 = tpu.memref_slice %arg4[%multiple_of3A_16, %dma_start3A_30] : memref<2560x128xi32, #tpu.memory_space<hbm>> -> memref<16x128xi32, #tpu.memory_space<hbm>>
    tpu.enqueue_dma source(%dma_start3A_31 : memref<16x128xi32, #tpu.memory_space<hbm>>) target(%dma_start3A_29 : memref<16x128xi32, #tpu.memory_space<vmem>>) target_semaphore(%arg14 : memref<!tpu.dma_semaphore, #tpu.memory_space<semaphore_mem>>)
    %and3A_32 = arith.constant 0 : i32
    %and3A_33 = arith.constant 16 : i32
    %and3A_34 = arith.andi %and3A_32, %and3A_33 : i32
    %add3A_35 = arith.constant 0 : i32
    %add3A_36 = arith.addi %multiple_of3A, %add3A_35 : i32
    %multiple_of3A_37 = tpu.assume_multiple %add3A_36, 8 : i32
    %dma_wait3A = arith.constant 0 : i32
    %dma_wait3A_38 = tpu.memref_slice %arg7[%and3A_34, %dma_wait3A] : memref<32x128xi32, #tpu.memory_space<vmem>> -> memref<16x128xi32, #tpu.memory_space<vmem>>
    %dma_wait3A_39 = arith.constant 0 : i32
    %dma_wait3A_40 = tpu.memref_slice %arg3[%multiple_of3A_37, %dma_wait3A_39] : memref<2560x128xi32, #tpu.memory_space<hbm>> -> memref<16x128xi32, #tpu.memory_space<hbm>>
    %dma_wait3A_41 = arith.constant 0 : i32
    %dma_wait3A_42 = tpu.memref_slice %arg7[%and3A_34, %dma_wait3A_41] : memref<32x128xi32, #tpu.memory_space<vmem>> -> memref<16x128xi32, #tpu.memory_space<vmem>>
    %dma_wait3A_43 = arith.constant 0 : i32
    %dma_wait3A_44 = tpu.memref_slice %arg3[%multiple_of3A_37, %dma_wait3A_43] : memref<2560x128xi32, #tpu.memory_space<hbm>> -> memref<16x128xi32, #tpu.memory_space<hbm>>
    tpu.wait_dma2 semaphore(%arg14 : memref<!tpu.dma_semaphore, #tpu.memory_space<semaphore_mem>>) src(%dma_wait3A_44 : memref<16x128xi32, #tpu.memory_space<hbm>>) dst(%dma_wait3A_42 : memref<16x128xi32, #tpu.memory_space<vmem>>)
    %dma_wait3A_45 = arith.constant 0 : i32
    %dma_wait3A_46 = tpu.memref_slice %arg8[%and3A_34, %dma_wait3A_45] : memref<32x128xi32, #tpu.memory_space<vmem>> -> memref<16x128xi32, #tpu.memory_space<vmem>>
    %dma_wait3A_47 = arith.constant 0 : i32
    %dma_wait3A_48 = tpu.memref_slice %arg4[%multiple_of3A_37, %dma_wait3A_47] : memref<2560x128xi32, #tpu.memory_space<hbm>> -> memref<16x128xi32, #tpu.memory_space<hbm>>
    %dma_wait3A_49 = arith.constant 0 : i32
    %dma_wait3A_50 = tpu.memref_slice %arg8[%and3A_34, %dma_wait3A_49] : memref<32x128xi32, #tpu.memory_space<vmem>> -> memref<16x128xi32, #tpu.memory_space<vmem>>
    %dma_wait3A_51 = arith.constant 0 : i32
    %dma_wait3A_52 = tpu.memref_slice %arg4[%multiple_of3A_37, %dma_wait3A_51] : memref<2560x128xi32, #tpu.memory_space<hbm>> -> memref<16x128xi32, #tpu.memory_space<hbm>>
    tpu.wait_dma2 semaphore(%arg14 : memref<!tpu.dma_semaphore, #tpu.memory_space<semaphore_mem>>) src(%dma_wait3A_52 : memref<16x128xi32, #tpu.memory_space<hbm>>) dst(%dma_wait3A_50 : memref<16x128xi32, #tpu.memory_space<vmem>>)
    %barrier3A = arith.constant 0 : index
    tpu.barrier barrier_id(%barrier3A)
    %gt3A = arith.constant 0 : i32
    %gt3A_53 = arith.cmpi sgt, %min3A_9, %gt3A : i32
    %convert_element_type3A = arith.extui %gt3A_53 : i1 to i32
    %cond3A = arith.constant 0 : i32
    %cond3A_54 = arith.cmpi ne, %convert_element_type3A, %cond3A : i32
    scf.if %cond3A_54 {
      %and3A_74 = arith.constant 0 : i32
      %and3A_75 = arith.constant 31 : i32
      %and3A_76 = arith.andi %and3A_74, %and3A_75 : i32
      %dma_start3A_77 = arith.constant 0 : i32
      %dma_start3A_78 = tpu.memref_slice %arg7[%and3A_76, %dma_start3A_77] : memref<32x128xi32, #tpu.memory_space<vmem>> -> memref<1x128xi32, #tpu.memory_space<vmem>>
      %dma_start3A_79 = tpu.memref_squeeze %dma_start3A_78 : memref<1x128xi32, #tpu.memory_space<vmem>> -> memref<128xi32, #tpu.memory_space<vmem>>
      %dma_start3A_80 = arith.constant 0 : i32
      %dma_start3A_81 = arith.constant 0 : i32
      %dma_start3A_82 = tpu.memref_slice %arg2[%dma_start3A_80, %dma_start3A_81] : memref<10000x128xf32, #tpu.memory_space<hbm>> -> memref<10000x128xf32, #tpu.memory_space<hbm>>
      tpu.enqueue_indirect_dma source(%dma_start3A_82 : memref<10000x128xf32, #tpu.memory_space<hbm>>) target(%arg9 : memref<128x128xf32, #tpu.memory_space<vmem>>) offsets(%dma_start3A_79 : memref<128xi32, #tpu.memory_space<vmem>>) semaphore(%arg12 : memref<!tpu.dma_semaphore, #tpu.memory_space<semaphore_mem>>)
    } else {
    }
    %gt3A_55 = arith.constant 1 : i32
    %gt3A_56 = arith.cmpi sgt, %min3A_9, %gt3A_55 : i32
    %convert_element_type3A_57 = arith.extui %gt3A_56 : i1 to i32
    %cond3A_58 = arith.constant 0 : i32
    %cond3A_59 = arith.cmpi ne, %convert_element_type3A_57, %cond3A_58 : i32
    scf.if %cond3A_59 {
      %and3A_74 = arith.constant 1 : i32
      %and3A_75 = arith.constant 31 : i32
      %and3A_76 = arith.andi %and3A_74, %and3A_75 : i32
      %dma_start3A_77 = arith.constant 0 : i32
      %dma_start3A_78 = tpu.memref_slice %arg7[%and3A_76, %dma_start3A_77] : memref<32x128xi32, #tpu.memory_space<vmem>> -> memref<1x128xi32, #tpu.memory_space<vmem>>
      %dma_start3A_79 = tpu.memref_squeeze %dma_start3A_78 : memref<1x128xi32, #tpu.memory_space<vmem>> -> memref<128xi32, #tpu.memory_space<vmem>>
      %dma_start3A_80 = arith.constant 0 : i32
      %dma_start3A_81 = arith.constant 0 : i32
      %dma_start3A_82 = tpu.memref_slice %arg2[%dma_start3A_80, %dma_start3A_81] : memref<10000x128xf32, #tpu.memory_space<hbm>> -> memref<10000x128xf32, #tpu.memory_space<hbm>>
      tpu.enqueue_indirect_dma source(%dma_start3A_82 : memref<10000x128xf32, #tpu.memory_space<hbm>>) target(%arg10 : memref<128x128xf32, #tpu.memory_space<vmem>>) offsets(%dma_start3A_79 : memref<128xi32, #tpu.memory_space<vmem>>) semaphore(%arg13 : memref<!tpu.dma_semaphore, #tpu.memory_space<semaphore_mem>>)
    } else {
    }
    %scan3A = arith.constant 0 : i32
    %scan3A_60 = arith.constant 0 : i32
    %scan3A_61 = arith.constant 40 : i32
    %scan3A_62 = arith.addi %scan3A_60, %scan3A_61 : i32
    %scan3A_63 = arith.constant 1 : i32
    scf.for %scan3A_74 = %scan3A_60 to %scan3A_62 step %scan3A_63  : i32 {
      %mul3A_75 = arith.constant 2 : i32
      %mul3A_76 = arith.muli %mul3A_75, %scan3A_74 : i32
      %and3A_77 = arith.constant 15 : i32
      %and3A_78 = arith.andi %mul3A_76, %and3A_77 : i32
      %eq3A = arith.constant 0 : i32
      %eq3A_79 = arith.cmpi eq, %and3A_78, %eq3A : i32
      %add3A_80 = arith.constant 16 : i32
      %add3A_81 = arith.addi %mul3A_76, %add3A_80 : i32
      %lt3A = arith.cmpi slt, %add3A_81, %min3A_9 : i32
      %and3A_82 = arith.andi %eq3A_79, %lt3A : i1
      %convert_element_type3A_83 = arith.extui %and3A_82 : i1 to i32
      %cond3A_84 = arith.constant 0 : i32
      %cond3A_85 = arith.cmpi ne, %convert_element_type3A_83, %cond3A_84 : i32
      scf.if %cond3A_85 {
        %add3A_121 = arith.constant 16 : i32
        %add3A_122 = arith.addi %mul3A_76, %add3A_121 : i32
        %and3A_123 = arith.constant 16 : i32
        %and3A_124 = arith.andi %add3A_122, %and3A_123 : i32
        %add3A_125 = arith.addi %multiple_of3A, %add3A_122 : i32
        %multiple_of3A_126 = tpu.assume_multiple %add3A_125, 8 : i32
        %dma_start3A_127 = arith.constant 0 : i32
        %dma_start3A_128 = tpu.memref_slice %arg7[%and3A_124, %dma_start3A_127] : memref<32x128xi32, #tpu.memory_space<vmem>> -> memref<16x128xi32, #tpu.memory_space<vmem>>
        %dma_start3A_129 = arith.constant 0 : i32
        %dma_start3A_130 = tpu.memref_slice %arg3[%multiple_of3A_126, %dma_start3A_129] : memref<2560x128xi32, #tpu.memory_space<hbm>> -> memref<16x128xi32, #tpu.memory_space<hbm>>
        %dma_start3A_131 = arith.constant 0 : i32
        %dma_start3A_132 = tpu.memref_slice %arg7[%and3A_124, %dma_start3A_131] : memref<32x128xi32, #tpu.memory_space<vmem>> -> memref<16x128xi32, #tpu.memory_space<vmem>>
        %dma_start3A_133 = arith.constant 0 : i32
        %dma_start3A_134 = tpu.memref_slice %arg3[%multiple_of3A_126, %dma_start3A_133] : memref<2560x128xi32, #tpu.memory_space<hbm>> -> memref<16x128xi32, #tpu.memory_space<hbm>>
        tpu.enqueue_dma source(%dma_start3A_134 : memref<16x128xi32, #tpu.memory_space<hbm>>) target(%dma_start3A_132 : memref<16x128xi32, #tpu.memory_space<vmem>>) target_semaphore(%arg14 : memref<!tpu.dma_semaphore, #tpu.memory_space<semaphore_mem>>)
        %dma_start3A_135 = arith.constant 0 : i32
        %dma_start3A_136 = tpu.memref_slice %arg8[%and3A_124, %dma_start3A_135] : memref<32x128xi32, #tpu.memory_space<vmem>> -> memref<16x128xi32, #tpu.memory_space<vmem>>
        %dma_start3A_137 = arith.constant 0 : i32
        %dma_start3A_138 = tpu.memref_slice %arg4[%multiple_of3A_126, %dma_start3A_137] : memref<2560x128xi32, #tpu.memory_space<hbm>> -> memref<16x128xi32, #tpu.memory_space<hbm>>
        %dma_start3A_139 = arith.constant 0 : i32
        %dma_start3A_140 = tpu.memref_slice %arg8[%and3A_124, %dma_start3A_139] : memref<32x128xi32, #tpu.memory_space<vmem>> -> memref<16x128xi32, #tpu.memory_space<vmem>>
        %dma_start3A_141 = arith.constant 0 : i32
        %dma_start3A_142 = tpu.memref_slice %arg4[%multiple_of3A_126, %dma_start3A_141] : memref<2560x128xi32, #tpu.memory_space<hbm>> -> memref<16x128xi32, #tpu.memory_space<hbm>>
        tpu.enqueue_dma source(%dma_start3A_142 : memref<16x128xi32, #tpu.memory_space<hbm>>) target(%dma_start3A_140 : memref<16x128xi32, #tpu.memory_space<vmem>>) target_semaphore(%arg14 : memref<!tpu.dma_semaphore, #tpu.memory_space<semaphore_mem>>)
      } else {
      }
      %and3A_86 = arith.constant 15 : i32
      %and3A_87 = arith.andi %mul3A_76, %and3A_86 : i32
      %eq3A_88 = arith.constant 14 : i32
      %eq3A_89 = arith.cmpi eq, %and3A_87, %eq3A_88 : i32
      %add3A_90 = arith.constant 2 : i32
      %add3A_91 = arith.addi %mul3A_76, %add3A_90 : i32
      %lt3A_92 = arith.cmpi slt, %add3A_91, %min3A_9 : i32
      %and3A_93 = arith.andi %eq3A_89, %lt3A_92 : i1
      %convert_element_type3A_94 = arith.extui %and3A_93 : i1 to i32
      %cond3A_95 = arith.constant 0 : i32
      %cond3A_96 = arith.cmpi ne, %convert_element_type3A_94, %cond3A_95 : i32
      scf.if %cond3A_96 {
        %add3A_121 = arith.constant 2 : i32
        %add3A_122 = arith.addi %mul3A_76, %add3A_121 : i32
        %and3A_123 = arith.constant 16 : i32
        %and3A_124 = arith.andi %add3A_122, %and3A_123 : i32
        %add3A_125 = arith.addi %multiple_of3A, %add3A_122 : i32
        %multiple_of3A_126 = tpu.assume_multiple %add3A_125, 8 : i32
        %dma_wait3A_127 = arith.constant 0 : i32
        %dma_wait3A_128 = tpu.memref_slice %arg7[%and3A_124, %dma_wait3A_127] : memref<32x128xi32, #tpu.memory_space<vmem>> -> memref<16x128xi32, #tpu.memory_space<vmem>>
        %dma_wait3A_129 = arith.constant 0 : i32
        %dma_wait3A_130 = tpu.memref_slice %arg3[%multiple_of3A_126, %dma_wait3A_129] : memref<2560x128xi32, #tpu.memory_space<hbm>> -> memref<16x128xi32, #tpu.memory_space<hbm>>
        %dma_wait3A_131 = arith.constant 0 : i32
        %dma_wait3A_132 = tpu.memref_slice %arg7[%and3A_124, %dma_wait3A_131] : memref<32x128xi32, #tpu.memory_space<vmem>> -> memref<16x128xi32, #tpu.memory_space<vmem>>
        %dma_wait3A_133 = arith.constant 0 : i32
        %dma_wait3A_134 = tpu.memref_slice %arg3[%multiple_of3A_126, %dma_wait3A_133] : memref<2560x128xi32, #tpu.memory_space<hbm>> -> memref<16x128xi32, #tpu.memory_space<hbm>>
        tpu.wait_dma2 semaphore(%arg14 : memref<!tpu.dma_semaphore, #tpu.memory_space<semaphore_mem>>) src(%dma_wait3A_134 : memref<16x128xi32, #tpu.memory_space<hbm>>) dst(%dma_wait3A_132 : memref<16x128xi32, #tpu.memory_space<vmem>>)
        %dma_wait3A_135 = arith.constant 0 : i32
        %dma_wait3A_136 = tpu.memref_slice %arg8[%and3A_124, %dma_wait3A_135] : memref<32x128xi32, #tpu.memory_space<vmem>> -> memref<16x128xi32, #tpu.memory_space<vmem>>
        %dma_wait3A_137 = arith.constant 0 : i32
        %dma_wait3A_138 = tpu.memref_slice %arg4[%multiple_of3A_126, %dma_wait3A_137] : memref<2560x128xi32, #tpu.memory_space<hbm>> -> memref<16x128xi32, #tpu.memory_space<hbm>>
        %dma_wait3A_139 = arith.constant 0 : i32
        %dma_wait3A_140 = tpu.memref_slice %arg8[%and3A_124, %dma_wait3A_139] : memref<32x128xi32, #tpu.memory_space<vmem>> -> memref<16x128xi32, #tpu.memory_space<vmem>>
        %dma_wait3A_141 = arith.constant 0 : i32
        %dma_wait3A_142 = tpu.memref_slice %arg4[%multiple_of3A_126, %dma_wait3A_141] : memref<2560x128xi32, #tpu.memory_space<hbm>> -> memref<16x128xi32, #tpu.memory_space<hbm>>
        tpu.wait_dma2 semaphore(%arg14 : memref<!tpu.dma_semaphore, #tpu.memory_space<semaphore_mem>>) src(%dma_wait3A_142 : memref<16x128xi32, #tpu.memory_space<hbm>>) dst(%dma_wait3A_140 : memref<16x128xi32, #tpu.memory_space<vmem>>)
      } else {
      }
      %add3A_97 = arith.constant 0 : i32
      %add3A_98 = arith.addi %mul3A_76, %add3A_97 : i32
      %lt3A_99 = arith.cmpi slt, %add3A_98, %min3A_9 : i32
      %convert_element_type3A_100 = arith.extui %lt3A_99 : i1 to i32
      %cond3A_101 = arith.constant 0 : i32
      %cond3A_102 = arith.cmpi ne, %convert_element_type3A_100, %cond3A_101 : i32
      scf.if %cond3A_102 {
        %and3A_121 = arith.constant 31 : i32
        %and3A_122 = arith.andi %add3A_98, %and3A_121 : i32
        %dma_wait3A_123 = arith.constant 0 : i32
        %dma_wait3A_124 = tpu.memref_slice %arg7[%and3A_122, %dma_wait3A_123] : memref<32x128xi32, #tpu.memory_space<vmem>> -> memref<1x128xi32, #tpu.memory_space<vmem>>
        %dma_wait3A_125 = tpu.memref_squeeze %dma_wait3A_124 : memref<1x128xi32, #tpu.memory_space<vmem>> -> memref<128xi32, #tpu.memory_space<vmem>>
        %dma_wait3A_126 = arith.constant 0 : i32
        %dma_wait3A_127 = arith.constant 0 : i32
        %dma_wait3A_128 = tpu.memref_slice %arg2[%dma_wait3A_126, %dma_wait3A_127] : memref<10000x128xf32, #tpu.memory_space<hbm>> -> memref<10000x128xf32, #tpu.memory_space<hbm>>
        tpu.wait_indirect_dma semaphore(%arg12 : memref<!tpu.dma_semaphore, #tpu.memory_space<semaphore_mem>>) src(%dma_wait3A_128 : memref<10000x128xf32, #tpu.memory_space<hbm>>) dst(%arg9 : memref<128x128xf32, #tpu.memory_space<vmem>>)
        %and3A_129 = arith.constant 31 : i32
        %and3A_130 = arith.andi %add3A_98, %and3A_129 : i32
        "tpu.region"() ({
          %run_scoped3A = tpu.sem_alloc : memref<!tpu.dma_semaphore, #tpu.memory_space<semaphore_mem>>
          %dma_start3A_131 = arith.constant 0 : i32
          %dma_start3A_132 = tpu.memref_slice %arg8[%and3A_130, %dma_start3A_131] : memref<32x128xi32, #tpu.memory_space<vmem>> -> memref<1x128xi32, #tpu.memory_space<vmem>>
          %dma_start3A_133 = tpu.memref_squeeze %dma_start3A_132 : memref<1x128xi32, #tpu.memory_space<vmem>> -> memref<128xi32, #tpu.memory_space<vmem>>
          %dma_start3A_134 = arith.constant 0 : i32
          %dma_start3A_135 = arith.constant 0 : i32
          %dma_start3A_136 = tpu.memref_slice %arg11[%dma_start3A_134, %dma_start3A_135] : memref<10240x128xf32, #tpu.memory_space<vmem_shared>> -> memref<10240x128xf32, #tpu.memory_space<vmem_shared>>
          tpu.enqueue_indirect_dma source(%arg9 : memref<128x128xf32, #tpu.memory_space<vmem>>) target(%dma_start3A_136 : memref<10240x128xf32, #tpu.memory_space<vmem_shared>>) offsets(%dma_start3A_133 : memref<128xi32, #tpu.memory_space<vmem>>) semaphore(%run_scoped3A : memref<!tpu.dma_semaphore, #tpu.memory_space<semaphore_mem>>) {add = true}
          %dma_wait3A_137 = arith.constant 0 : i32
          %dma_wait3A_138 = tpu.memref_slice %arg8[%and3A_130, %dma_wait3A_137] : memref<32x128xi32, #tpu.memory_space<vmem>> -> memref<1x128xi32, #tpu.memory_space<vmem>>
          %dma_wait3A_139 = tpu.memref_squeeze %dma_wait3A_138 : memref<1x128xi32, #tpu.memory_space<vmem>> -> memref<128xi32, #tpu.memory_space<vmem>>
          %dma_wait3A_140 = arith.constant 0 : i32
          %dma_wait3A_141 = arith.constant 0 : i32
          %dma_wait3A_142 = tpu.memref_slice %arg11[%dma_wait3A_140, %dma_wait3A_141] : memref<10240x128xf32, #tpu.memory_space<vmem_shared>> -> memref<10240x128xf32, #tpu.memory_space<vmem_shared>>
          tpu.wait_indirect_dma semaphore(%run_scoped3A : memref<!tpu.dma_semaphore, #tpu.memory_space<semaphore_mem>>) src(%arg9 : memref<128x128xf32, #tpu.memory_space<vmem>>) dst(%dma_wait3A_142 : memref<10240x128xf32, #tpu.memory_space<vmem_shared>>)
          tpu.yield
        }) : () -> ()
      } else {
      }
      %add3A_103 = arith.constant 2 : i32
      %add3A_104 = arith.addi %add3A_98, %add3A_103 : i32
      %lt3A_105 = arith.cmpi slt, %add3A_104, %min3A_9 : i32
      %convert_element_type3A_106 = arith.extui %lt3A_105 : i1 to i32
      %cond3A_107 = arith.constant 0 : i32
      %cond3A_108 = arith.cmpi ne, %convert_element_type3A_106, %cond3A_107 : i32
      scf.if %cond3A_108 {
        %add3A_121 = arith.constant 2 : i32
        %add3A_122 = arith.addi %add3A_98, %add3A_121 : i32
        %and3A_123 = arith.constant 31 : i32
        %and3A_124 = arith.andi %add3A_122, %and3A_123 : i32
        %dma_start3A_125 = arith.constant 0 : i32
        %dma_start3A_126 = tpu.memref_slice %arg7[%and3A_124, %dma_start3A_125] : memref<32x128xi32, #tpu.memory_space<vmem>> -> memref<1x128xi32, #tpu.memory_space<vmem>>
        %dma_start3A_127 = tpu.memref_squeeze %dma_start3A_126 : memref<1x128xi32, #tpu.memory_space<vmem>> -> memref<128xi32, #tpu.memory_space<vmem>>
        %dma_start3A_128 = arith.constant 0 : i32
        %dma_start3A_129 = arith.constant 0 : i32
        %dma_start3A_130 = tpu.memref_slice %arg2[%dma_start3A_128, %dma_start3A_129] : memref<10000x128xf32, #tpu.memory_space<hbm>> -> memref<10000x128xf32, #tpu.memory_space<hbm>>
        tpu.enqueue_indirect_dma source(%dma_start3A_130 : memref<10000x128xf32, #tpu.memory_space<hbm>>) target(%arg9 : memref<128x128xf32, #tpu.memory_space<vmem>>) offsets(%dma_start3A_127 : memref<128xi32, #tpu.memory_space<vmem>>) semaphore(%arg12 : memref<!tpu.dma_semaphore, #tpu.memory_space<semaphore_mem>>)
      } else {
      }
      %add3A_109 = arith.constant 1 : i32
      %add3A_110 = arith.addi %mul3A_76, %add3A_109 : i32
      %lt3A_111 = arith.cmpi slt, %add3A_110, %min3A_9 : i32
      %convert_element_type3A_112 = arith.extui %lt3A_111 : i1 to i32
      %cond3A_113 = arith.constant 0 : i32
      %cond3A_114 = arith.cmpi ne, %convert_element_type3A_112, %cond3A_113 : i32
      scf.if %cond3A_114 {
        %and3A_121 = arith.constant 31 : i32
        %and3A_122 = arith.andi %add3A_110, %and3A_121 : i32
        %dma_wait3A_123 = arith.constant 0 : i32
        %dma_wait3A_124 = tpu.memref_slice %arg7[%and3A_122, %dma_wait3A_123] : memref<32x128xi32, #tpu.memory_space<vmem>> -> memref<1x128xi32, #tpu.memory_space<vmem>>
        %dma_wait3A_125 = tpu.memref_squeeze %dma_wait3A_124 : memref<1x128xi32, #tpu.memory_space<vmem>> -> memref<128xi32, #tpu.memory_space<vmem>>
        %dma_wait3A_126 = arith.constant 0 : i32
        %dma_wait3A_127 = arith.constant 0 : i32
        %dma_wait3A_128 = tpu.memref_slice %arg2[%dma_wait3A_126, %dma_wait3A_127] : memref<10000x128xf32, #tpu.memory_space<hbm>> -> memref<10000x128xf32, #tpu.memory_space<hbm>>
        tpu.wait_indirect_dma semaphore(%arg13 : memref<!tpu.dma_semaphore, #tpu.memory_space<semaphore_mem>>) src(%dma_wait3A_128 : memref<10000x128xf32, #tpu.memory_space<hbm>>) dst(%arg10 : memref<128x128xf32, #tpu.memory_space<vmem>>)
        %and3A_129 = arith.constant 31 : i32
        %and3A_130 = arith.andi %add3A_110, %and3A_129 : i32
        "tpu.region"() ({
          %run_scoped3A = tpu.sem_alloc : memref<!tpu.dma_semaphore, #tpu.memory_space<semaphore_mem>>
          %dma_start3A_131 = arith.constant 0 : i32
          %dma_start3A_132 = tpu.memref_slice %arg8[%and3A_130, %dma_start3A_131] : memref<32x128xi32, #tpu.memory_space<vmem>> -> memref<1x128xi32, #tpu.memory_space<vmem>>
          %dma_start3A_133 = tpu.memref_squeeze %dma_start3A_132 : memref<1x128xi32, #tpu.memory_space<vmem>> -> memref<128xi32, #tpu.memory_space<vmem>>
          %dma_start3A_134 = arith.constant 0 : i32
          %dma_start3A_135 = arith.constant 0 : i32
          %dma_start3A_136 = tpu.memref_slice %arg11[%dma_start3A_134, %dma_start3A_135] : memref<10240x128xf32, #tpu.memory_space<vmem_shared>> -> memref<10240x128xf32, #tpu.memory_space<vmem_shared>>
          tpu.enqueue_indirect_dma source(%arg10 : memref<128x128xf32, #tpu.memory_space<vmem>>) target(%dma_start3A_136 : memref<10240x128xf32, #tpu.memory_space<vmem_shared>>) offsets(%dma_start3A_133 : memref<128xi32, #tpu.memory_space<vmem>>) semaphore(%run_scoped3A : memref<!tpu.dma_semaphore, #tpu.memory_space<semaphore_mem>>) {add = true}
          %dma_wait3A_137 = arith.constant 0 : i32
          %dma_wait3A_138 = tpu.memref_slice %arg8[%and3A_130, %dma_wait3A_137] : memref<32x128xi32, #tpu.memory_space<vmem>> -> memref<1x128xi32, #tpu.memory_space<vmem>>
          %dma_wait3A_139 = tpu.memref_squeeze %dma_wait3A_138 : memref<1x128xi32, #tpu.memory_space<vmem>> -> memref<128xi32, #tpu.memory_space<vmem>>
          %dma_wait3A_140 = arith.constant 0 : i32
          %dma_wait3A_141 = arith.constant 0 : i32
          %dma_wait3A_142 = tpu.memref_slice %arg11[%dma_wait3A_140, %dma_wait3A_141] : memref<10240x128xf32, #tpu.memory_space<vmem_shared>> -> memref<10240x128xf32, #tpu.memory_space<vmem_shared>>
          tpu.wait_indirect_dma semaphore(%run_scoped3A : memref<!tpu.dma_semaphore, #tpu.memory_space<semaphore_mem>>) src(%arg10 : memref<128x128xf32, #tpu.memory_space<vmem>>) dst(%dma_wait3A_142 : memref<10240x128xf32, #tpu.memory_space<vmem_shared>>)
          tpu.yield
        }) : () -> ()
      } else {
      }
      %add3A_115 = arith.constant 2 : i32
      %add3A_116 = arith.addi %add3A_110, %add3A_115 : i32
      %lt3A_117 = arith.cmpi slt, %add3A_116, %min3A_9 : i32
      %convert_element_type3A_118 = arith.extui %lt3A_117 : i1 to i32
      %cond3A_119 = arith.constant 0 : i32
      %cond3A_120 = arith.cmpi ne, %convert_element_type3A_118, %cond3A_119 : i32
      scf.if %cond3A_120 {
        %add3A_121 = arith.constant 2 : i32
        %add3A_122 = arith.addi %add3A_110, %add3A_121 : i32
        %and3A_123 = arith.constant 31 : i32
        %and3A_124 = arith.andi %add3A_122, %and3A_123 : i32
        %dma_start3A_125 = arith.constant 0 : i32
        %dma_start3A_126 = tpu.memref_slice %arg7[%and3A_124, %dma_start3A_125] : memref<32x128xi32, #tpu.memory_space<vmem>> -> memref<1x128xi32, #tpu.memory_space<vmem>>
        %dma_start3A_127 = tpu.memref_squeeze %dma_start3A_126 : memref<1x128xi32, #tpu.memory_space<vmem>> -> memref<128xi32, #tpu.memory_space<vmem>>
        %dma_start3A_128 = arith.constant 0 : i32
        %dma_start3A_129 = arith.constant 0 : i32
        %dma_start3A_130 = tpu.memref_slice %arg2[%dma_start3A_128, %dma_start3A_129] : memref<10000x128xf32, #tpu.memory_space<hbm>> -> memref<10000x128xf32, #tpu.memory_space<hbm>>
        tpu.enqueue_indirect_dma source(%dma_start3A_130 : memref<10000x128xf32, #tpu.memory_space<hbm>>) target(%arg10 : memref<128x128xf32, #tpu.memory_space<vmem>>) offsets(%dma_start3A_127 : memref<128xi32, #tpu.memory_space<vmem>>) semaphore(%arg13 : memref<!tpu.dma_semaphore, #tpu.memory_space<semaphore_mem>>)
      } else {
      }
    }
    %scan3A_64 = arith.constant 40 : i32
    %barrier3A_65 = arith.constant 0 : index
    tpu.barrier barrier_id(%barrier3A_65)
    %mul3A_66 = arith.constant 10240 : i32
    %mul3A_67 = arith.muli %arg0, %mul3A_66 : i32
    %mul3A_68 = arith.constant 640 : i32
    %mul3A_69 = arith.muli %arg1, %mul3A_68 : i32
    %add3A_70 = arith.addi %mul3A_67, %mul3A_69 : i32
    %multiple_of3A_71 = tpu.assume_multiple %add3A_70, 8 : i32
    %mul3A_72 = arith.constant 640 : i32
    %mul3A_73 = arith.muli %arg1, %mul3A_72 : i32
    "tpu.region"() ({
      %run_scoped3A = tpu.sem_alloc : memref<!tpu.dma_semaphore, #tpu.memory_space<semaphore_mem>>
      %dma_start3A_74 = arith.constant 0 : i32
      %dma_start3A_75 = tpu.memref_slice %arg6[%multiple_of3A_71, %dma_start3A_74] : memref<20480x128xf32, #tpu.memory_space<hbm>> -> memref<640x128xf32, #tpu.memory_space<hbm>>
      %dma_start3A_76 = arith.constant 0 : i32
      %dma_start3A_77 = tpu.memref_slice %arg11[%mul3A_73, %dma_start3A_76] : memref<10240x128xf32, #tpu.memory_space<vmem_shared>> -> memref<640x128xf32, #tpu.memory_space<vmem_shared>>
      tpu.enqueue_dma source(%dma_start3A_77 : memref<640x128xf32, #tpu.memory_space<vmem_shared>>) target(%dma_start3A_75 : memref<640x128xf32, #tpu.memory_space<hbm>>) target_semaphore(%run_scoped3A : memref<!tpu.dma_semaphore, #tpu.memory_space<semaphore_mem>>)
      %dma_wait3A_78 = arith.constant 0 : i32
      %dma_wait3A_79 = tpu.memref_slice %arg6[%multiple_of3A_71, %dma_wait3A_78] : memref<20480x128xf32, #tpu.memory_space<hbm>> -> memref<640x128xf32, #tpu.memory_space<hbm>>
      %dma_wait3A_80 = arith.constant 0 : i32
      %dma_wait3A_81 = tpu.memref_slice %arg11[%mul3A_73, %dma_wait3A_80] : memref<10240x128xf32, #tpu.memory_space<vmem_shared>> -> memref<640x128xf32, #tpu.memory_space<vmem_shared>>
      tpu.wait_dma2 semaphore(%run_scoped3A : memref<!tpu.dma_semaphore, #tpu.memory_space<semaphore_mem>>) src(%dma_wait3A_81 : memref<640x128xf32, #tpu.memory_space<vmem_shared>>) dst(%dma_wait3A_79 : memref<640x128xf32, #tpu.memory_space<hbm>>)
      tpu.yield
    }) : () -> ()
    return
  }
}

module attributes {stable_mosaic.version = 14 : i64} {
  func.func @_b_body(%arg0: i32, %arg1: memref<640x128xf32, #tpu.memory_space<vmem>>, %arg2: memref<128x128xf32, #tpu.memory_space<vmem>>, %arg3: memref<640x128xi32, #tpu.memory_space<vmem>>, %arg4: memref<640x128xi32, #tpu.memory_space<vmem>>, %arg5: memref<640x128xf32, #tpu.memory_space<vmem>>, %arg6: memref<640x1xf32, #tpu.memory_space<vmem>>) attributes {dimension_semantics = [#tpu.dimension_semantics<arbitrary>], iteration_bounds = array<i64: 16>, scalar_prefetch = 0 : i64, scratch_operands = 0 : i64, tpu.core_type = #tpu.core_type<tc>, window_params = [{transform_indices = @transform_0, window_bounds = array<i64: 640, 128>}, {pipeline_mode = #tpu.pipeline_mode<synchronous>, transform_indices = @transform_1, window_bounds = array<i64: 128, 128>}, {transform_indices = @transform_2, window_bounds = array<i64: 640, 128>}, {transform_indices = @transform_3, window_bounds = array<i64: 640, 128>}, {transform_indices = @transform_4, window_bounds = array<i64: 640, 128>}, {transform_indices = @transform_5, window_bounds = array<i64: 640, 1>}]} {
    %get3A = arith.constant 0 : index
    %get3A_0 = arith.constant 0 : index
    %get3A_1 = vector.load %arg3[%get3A, %get3A_0] : memref<640x128xi32, #tpu.memory_space<vmem>>, vector<640x1xi32>
    %get3A_2 = arith.constant 0 : index
    %get3A_3 = arith.constant 0 : index
    %get3A_4 = vector.load %arg4[%get3A_2, %get3A_3] : memref<640x128xi32, #tpu.memory_space<vmem>>, vector<640x1xi32>
    %add3A = arith.addi %get3A_1, %get3A_4 : vector<640x1xi32>
    %add3A_5 = arith.constant 1 : i32
    %add3A_6 = vector.broadcast %add3A_5 : i32 to vector<640x1xi32>
    %add3A_7 = arith.addi %add3A, %add3A_6 : vector<640x1xi32>
    %convert_element_type3A = arith.sitofp %add3A_7 : vector<640x1xi32> to vector<640x1xf32>
    %rsqrt3A = math.rsqrt %convert_element_type3A : vector<640x1xf32>
    %get3A_8 = arith.constant 0 : index
    %get3A_9 = arith.constant 0 : index
    %get3A_10 = vector.load %arg1[%get3A_8, %get3A_9] : memref<640x128xf32, #tpu.memory_space<vmem>>, vector<640x128xf32>
    %get3A_11 = arith.constant 0 : index
    %get3A_12 = arith.constant 0 : index
    %get3A_13 = vector.load %arg2[%get3A_11, %get3A_12] : memref<128x128xf32, #tpu.memory_space<vmem>>, vector<128x128xf32>
    %dot_general3A = arith.constant dense<0.000000e+00> : vector<640x128xf32>
    %dot_general3A_14 = tpu.matmul %get3A_10, %get3A_13, %dot_general3A {dimension_numbers = #tpu.dot_dimension_numbers<[1], [0], [0], [1], [0, 0, 1, 1], [], []>, transpose_lhs_hint = false} : vector<640x128xf32>, vector<128x128xf32>, vector<640x128xf32> -> vector<640x128xf32>
    %mul3A = vector.broadcast %rsqrt3A : vector<640x1xf32> to vector<640x128xf32>
    %mul3A_15 = arith.mulf %dot_general3A_14, %mul3A : vector<640x128xf32>
    %swap3A = arith.constant 0 : index
    %swap3A_16 = arith.constant 0 : index
    %swap3A_17 = vector.load %arg5[%swap3A, %swap3A_16] : memref<640x128xf32, #tpu.memory_space<vmem>>, vector<640x128xf32>
    tpu.vector_store %arg5[%swap3A, %swap3A_16], %mul3A_15 {strides = array<i32>} : memref<640x128xf32, #tpu.memory_space<vmem>>, vector<640x128xf32>,
    %swap3A_18 = arith.constant 0 : index
    %swap3A_19 = arith.constant 0 : index
    %swap3A_20 = vector.load %arg6[%swap3A_18, %swap3A_19] : memref<640x1xf32, #tpu.memory_space<vmem>>, vector<640x1xf32>
    tpu.vector_store %arg6[%swap3A_18, %swap3A_19], %rsqrt3A {strides = array<i32>} : memref<640x1xf32, #tpu.memory_space<vmem>>, vector<640x1xf32>,
    return
  }
  func.func @transform_0(%arg0: i32) -> (i32, i32) {
    %c0_i32 = arith.constant 0 : i32
    %c0_i32_0 = arith.constant 0 : i32
    return %arg0, %c0_i32 : i32, i32
  }
  func.func @transform_1(%arg0: i32) -> (i32, i32) {
    %c0_i32 = arith.constant 0 : i32
    %c0_i32_0 = arith.constant 0 : i32
    %c0_i32_1 = arith.constant 0 : i32
    return %c0_i32, %c0_i32_0 : i32, i32
  }
  func.func @transform_2(%arg0: i32) -> (i32, i32) {
    %c0_i32 = arith.constant 0 : i32
    %c0_i32_0 = arith.constant 0 : i32
    return %arg0, %c0_i32 : i32, i32
  }
  func.func @transform_3(%arg0: i32) -> (i32, i32) {
    %add3A = arith.constant 16 : i32
    %add3A_0 = arith.addi %arg0, %add3A : i32
    %c0_i32 = arith.constant 0 : i32
    %c0_i32_1 = arith.constant 0 : i32
    return %add3A_0, %c0_i32 : i32, i32
  }
  func.func @transform_4(%arg0: i32) -> (i32, i32) {
    %c0_i32 = arith.constant 0 : i32
    %c0_i32_0 = arith.constant 0 : i32
    return %arg0, %c0_i32 : i32, i32
  }
  func.func @transform_5(%arg0: i32) -> (i32, i32) {
    %c0_i32 = arith.constant 0 : i32
    %c0_i32_0 = arith.constant 0 : i32
    return %arg0, %c0_i32 : i32, i32
  }
}

module attributes {stable_mosaic.version = 14 : i64} {
  func.func @_d_body(%arg0: i32, %arg1: memref<640x128xf32, #tpu.memory_space<vmem>>, %arg2: memref<640x128xf32, #tpu.memory_space<vmem>>, %arg3: memref<640x128xf32, #tpu.memory_space<vmem>>, %arg4: memref<640x1xf32, #tpu.memory_space<vmem>>, %arg5: memref<1x128xf32, #tpu.memory_space<vmem>>, %arg6: memref<128x128xf32, #tpu.memory_space<vmem>>, %arg7: memref<640x128xf32, #tpu.memory_space<vmem>>, %arg8: memref<640x128xf32, #tpu.memory_space<vmem>>) attributes {dimension_semantics = [#tpu.dimension_semantics<arbitrary>], iteration_bounds = array<i64: 16>, scalar_prefetch = 0 : i64, scratch_operands = 0 : i64, tpu.core_type = #tpu.core_type<tc>, window_params = [{transform_indices = @transform_0, window_bounds = array<i64: 640, 128>}, {transform_indices = @transform_1, window_bounds = array<i64: 640, 128>}, {transform_indices = @transform_2, window_bounds = array<i64: 640, 128>}, {transform_indices = @transform_3, window_bounds = array<i64: 640, 1>}, {pipeline_mode = #tpu.pipeline_mode<synchronous>, transform_indices = @transform_4, window_bounds = array<i64: 1, 128>}, {pipeline_mode = #tpu.pipeline_mode<synchronous>, transform_indices = @transform_5, window_bounds = array<i64: 128, 128>}, {transform_indices = @transform_6, window_bounds = array<i64: 640, 128>}, {transform_indices = @transform_7, window_bounds = array<i64: 640, 128>}]} {
    %get3A = arith.constant 0 : index
    %get3A_0 = arith.constant 0 : index
    %get3A_1 = vector.load %arg4[%get3A, %get3A_0] : memref<640x1xf32, #tpu.memory_space<vmem>>, vector<640x1xf32>
    %get3A_2 = arith.constant 0 : index
    %get3A_3 = arith.constant 0 : index
    %get3A_4 = vector.load %arg1[%get3A_2, %get3A_3] : memref<640x128xf32, #tpu.memory_space<vmem>>, vector<640x128xf32>
    %get3A_5 = arith.constant 0 : index
    %get3A_6 = arith.constant 0 : index
    %get3A_7 = vector.load %arg2[%get3A_5, %get3A_6] : memref<640x128xf32, #tpu.memory_space<vmem>>, vector<640x128xf32>
    %add3A = arith.addf %get3A_4, %get3A_7 : vector<640x128xf32>
    %get3A_8 = arith.constant 0 : index
    %get3A_9 = arith.constant 0 : index
    %get3A_10 = vector.load %arg3[%get3A_8, %get3A_9] : memref<640x128xf32, #tpu.memory_space<vmem>>, vector<640x128xf32>
    %add3A_11 = arith.addf %add3A, %get3A_10 : vector<640x128xf32>
    %mul3A = vector.broadcast %get3A_1 : vector<640x1xf32> to vector<640x128xf32>
    %mul3A_12 = arith.mulf %mul3A, %add3A_11 : vector<640x128xf32>
    %get3A_13 = arith.constant 0 : index
    %get3A_14 = arith.constant 0 : index
    %get3A_15 = vector.load %arg5[%get3A_13, %get3A_14] : memref<1x128xf32, #tpu.memory_space<vmem>>, vector<1x128xf32>
    %add3A_16 = vector.broadcast %get3A_15 : vector<1x128xf32> to vector<640x128xf32>
    %add3A_17 = arith.addf %mul3A_12, %add3A_16 : vector<640x128xf32>
    %max3A = arith.constant 0.000000e+00 : f32
    %max3A_18 = vector.broadcast %max3A : f32 to vector<640x128xf32>
    %max3A_19 = arith.maximumf %add3A_17, %max3A_18 : vector<640x128xf32>
    %swap3A = arith.constant 0 : index
    %swap3A_20 = arith.constant 0 : index
    %swap3A_21 = vector.load %arg7[%swap3A, %swap3A_20] : memref<640x128xf32, #tpu.memory_space<vmem>>, vector<640x128xf32>
    tpu.vector_store %arg7[%swap3A, %swap3A_20], %max3A_19 {strides = array<i32>} : memref<640x128xf32, #tpu.memory_space<vmem>>, vector<640x128xf32>,
    %get3A_22 = arith.constant 0 : index
    %get3A_23 = arith.constant 0 : index
    %get3A_24 = vector.load %arg6[%get3A_22, %get3A_23] : memref<128x128xf32, #tpu.memory_space<vmem>>, vector<128x128xf32>
    %dot_general3A = arith.constant dense<0.000000e+00> : vector<640x128xf32>
    %dot_general3A_25 = tpu.matmul %max3A_19, %get3A_24, %dot_general3A {dimension_numbers = #tpu.dot_dimension_numbers<[1], [0], [0], [1], [0, 0, 1, 1], [], []>, transpose_lhs_hint = false} : vector<640x128xf32>, vector<128x128xf32>, vector<640x128xf32> -> vector<640x128xf32>
    %mul3A_26 = vector.broadcast %get3A_1 : vector<640x1xf32> to vector<640x128xf32>
    %mul3A_27 = arith.mulf %mul3A_26, %dot_general3A_25 : vector<640x128xf32>
    %swap3A_28 = arith.constant 0 : index
    %swap3A_29 = arith.constant 0 : index
    %swap3A_30 = vector.load %arg8[%swap3A_28, %swap3A_29] : memref<640x128xf32, #tpu.memory_space<vmem>>, vector<640x128xf32>
    tpu.vector_store %arg8[%swap3A_28, %swap3A_29], %mul3A_27 {strides = array<i32>} : memref<640x128xf32, #tpu.memory_space<vmem>>, vector<640x128xf32>,
    return
  }
  func.func @transform_0(%arg0: i32) -> (i32, i32) {
    %c0_i32 = arith.constant 0 : i32
    %c0_i32_0 = arith.constant 0 : i32
    return %arg0, %c0_i32 : i32, i32
  }
  func.func @transform_1(%arg0: i32) -> (i32, i32) {
    %add3A = arith.constant 16 : i32
    %add3A_0 = arith.addi %arg0, %add3A : i32
    %c0_i32 = arith.constant 0 : i32
    %c0_i32_1 = arith.constant 0 : i32
    return %add3A_0, %c0_i32 : i32, i32
  }
  func.func @transform_2(%arg0: i32) -> (i32, i32) {
    %c0_i32 = arith.constant 0 : i32
    %c0_i32_0 = arith.constant 0 : i32
    return %arg0, %c0_i32 : i32, i32
  }
  func.func @transform_3(%arg0: i32) -> (i32, i32) {
    %c0_i32 = arith.constant 0 : i32
    %c0_i32_0 = arith.constant 0 : i32
    return %arg0, %c0_i32 : i32, i32
  }
  func.func @transform_4(%arg0: i32) -> (i32, i32) {
    %c0_i32 = arith.constant 0 : i32
    %c0_i32_0 = arith.constant 0 : i32
    %c0_i32_1 = arith.constant 0 : i32
    return %c0_i32, %c0_i32_0 : i32, i32
  }
  func.func @transform_5(%arg0: i32) -> (i32, i32) {
    %c0_i32 = arith.constant 0 : i32
    %c0_i32_0 = arith.constant 0 : i32
    %c0_i32_1 = arith.constant 0 : i32
    return %c0_i32, %c0_i32_0 : i32, i32
  }
  func.func @transform_6(%arg0: i32) -> (i32, i32) {
    %c0_i32 = arith.constant 0 : i32
    %c0_i32_0 = arith.constant 0 : i32
    return %arg0, %c0_i32 : i32, i32
  }
  func.func @transform_7(%arg0: i32) -> (i32, i32) {
    %c0_i32 = arith.constant 0 : i32
    %c0_i32_0 = arith.constant 0 : i32
    return %arg0, %c0_i32 : i32, i32
  }
}

module attributes {stable_mosaic.version = 14 : i64} {
  func.func @_e_body(%arg0: i32, %arg1: memref<640x128xf32, #tpu.memory_space<vmem>>, %arg2: memref<640x128xf32, #tpu.memory_space<vmem>>, %arg3: memref<640x128xf32, #tpu.memory_space<vmem>>, %arg4: memref<640x1xf32, #tpu.memory_space<vmem>>, %arg5: memref<1x128xf32, #tpu.memory_space<vmem>>, %arg6: memref<640x128xf32, #tpu.memory_space<vmem>>, %arg7: memref<256x128xf32, #tpu.memory_space<vmem>>, %arg8: memref<1x128xf32, #tpu.memory_space<vmem>>, %arg9: memref<640x128xf32, #tpu.memory_space<vmem>>) attributes {dimension_semantics = [#tpu.dimension_semantics<arbitrary>], iteration_bounds = array<i64: 16>, scalar_prefetch = 0 : i64, scratch_operands = 0 : i64, tpu.core_type = #tpu.core_type<tc>, window_params = [{transform_indices = @transform_0, window_bounds = array<i64: 640, 128>}, {transform_indices = @transform_1, window_bounds = array<i64: 640, 128>}, {transform_indices = @transform_2, window_bounds = array<i64: 640, 128>}, {transform_indices = @transform_3, window_bounds = array<i64: 640, 1>}, {pipeline_mode = #tpu.pipeline_mode<synchronous>, transform_indices = @transform_4, window_bounds = array<i64: 1, 128>}, {transform_indices = @transform_5, window_bounds = array<i64: 640, 128>}, {pipeline_mode = #tpu.pipeline_mode<synchronous>, transform_indices = @transform_6, window_bounds = array<i64: 256, 128>}, {pipeline_mode = #tpu.pipeline_mode<synchronous>, transform_indices = @transform_7, window_bounds = array<i64: 1, 128>}, {transform_indices = @transform_8, window_bounds = array<i64: 640, 128>}]} {
    %get3A = arith.constant 0 : index
    %get3A_0 = arith.constant 0 : index
    %get3A_1 = vector.load %arg4[%get3A, %get3A_0] : memref<640x1xf32, #tpu.memory_space<vmem>>, vector<640x1xf32>
    %get3A_2 = arith.constant 0 : index
    %get3A_3 = arith.constant 0 : index
    %get3A_4 = vector.load %arg1[%get3A_2, %get3A_3] : memref<640x128xf32, #tpu.memory_space<vmem>>, vector<640x128xf32>
    %get3A_5 = arith.constant 0 : index
    %get3A_6 = arith.constant 0 : index
    %get3A_7 = vector.load %arg2[%get3A_5, %get3A_6] : memref<640x128xf32, #tpu.memory_space<vmem>>, vector<640x128xf32>
    %add3A = arith.addf %get3A_4, %get3A_7 : vector<640x128xf32>
    %get3A_8 = arith.constant 0 : index
    %get3A_9 = arith.constant 0 : index
    %get3A_10 = vector.load %arg3[%get3A_8, %get3A_9] : memref<640x128xf32, #tpu.memory_space<vmem>>, vector<640x128xf32>
    %add3A_11 = arith.addf %add3A, %get3A_10 : vector<640x128xf32>
    %mul3A = vector.broadcast %get3A_1 : vector<640x1xf32> to vector<640x128xf32>
    %mul3A_12 = arith.mulf %mul3A, %add3A_11 : vector<640x128xf32>
    %get3A_13 = arith.constant 0 : index
    %get3A_14 = arith.constant 0 : index
    %get3A_15 = vector.load %arg5[%get3A_13, %get3A_14] : memref<1x128xf32, #tpu.memory_space<vmem>>, vector<1x128xf32>
    %add3A_16 = vector.broadcast %get3A_15 : vector<1x128xf32> to vector<640x128xf32>
    %add3A_17 = arith.addf %mul3A_12, %add3A_16 : vector<640x128xf32>
    %max3A = arith.constant 0.000000e+00 : f32
    %max3A_18 = vector.broadcast %max3A : f32 to vector<640x128xf32>
    %max3A_19 = arith.maximumf %add3A_17, %max3A_18 : vector<640x128xf32>
    %get3A_20 = arith.constant 0 : index
    %get3A_21 = arith.constant 0 : index
    %get3A_22 = vector.load %arg6[%get3A_20, %get3A_21] : memref<640x128xf32, #tpu.memory_space<vmem>>, vector<640x128xf32>
    %get3A_23 = arith.constant 0 : index
    %get3A_24 = arith.constant 0 : index
    %get3A_25 = vector.load %arg7[%get3A_23, %get3A_24] : memref<256x128xf32, #tpu.memory_space<vmem>>, vector<128x128xf32>
    %dot_general3A = arith.constant dense<0.000000e+00> : vector<640x128xf32>
    %dot_general3A_26 = tpu.matmul %get3A_22, %get3A_25, %dot_general3A {dimension_numbers = #tpu.dot_dimension_numbers<[1], [0], [0], [1], [0, 0, 1, 1], [], []>, transpose_lhs_hint = false} : vector<640x128xf32>, vector<128x128xf32>, vector<640x128xf32> -> vector<640x128xf32>
    %get3A_27 = arith.constant 128 : index
    %get3A_28 = arith.constant 0 : index
    %get3A_29 = vector.load %arg7[%get3A_27, %get3A_28] : memref<256x128xf32, #tpu.memory_space<vmem>>, vector<128x128xf32>
    %dot_general3A_30 = arith.constant dense<0.000000e+00> : vector<640x128xf32>
    %dot_general3A_31 = tpu.matmul %max3A_19, %get3A_29, %dot_general3A_30 {dimension_numbers = #tpu.dot_dimension_numbers<[1], [0], [0], [1], [0, 0, 1, 1], [], []>, transpose_lhs_hint = false} : vector<640x128xf32>, vector<128x128xf32>, vector<640x128xf32> -> vector<640x128xf32>
    %add3A_32 = arith.addf %dot_general3A_26, %dot_general3A_31 : vector<640x128xf32>
    %get3A_33 = arith.constant 0 : index
    %get3A_34 = arith.constant 0 : index
    %get3A_35 = vector.load %arg8[%get3A_33, %get3A_34] : memref<1x128xf32, #tpu.memory_space<vmem>>, vector<1x128xf32>
    %add3A_36 = vector.broadcast %get3A_35 : vector<1x128xf32> to vector<640x128xf32>
    %add3A_37 = arith.addf %add3A_32, %add3A_36 : vector<640x128xf32>
    %swap3A = arith.constant 0 : index
    %swap3A_38 = arith.constant 0 : index
    %swap3A_39 = vector.load %arg9[%swap3A, %swap3A_38] : memref<640x128xf32, #tpu.memory_space<vmem>>, vector<640x128xf32>
    tpu.vector_store %arg9[%swap3A, %swap3A_38], %add3A_37 {strides = array<i32>} : memref<640x128xf32, #tpu.memory_space<vmem>>, vector<640x128xf32>,
    return
  }
  func.func @transform_0(%arg0: i32) -> (i32, i32) {
    %c0_i32 = arith.constant 0 : i32
    %c0_i32_0 = arith.constant 0 : i32
    return %arg0, %c0_i32 : i32, i32
  }
  func.func @transform_1(%arg0: i32) -> (i32, i32) {
    %add3A = arith.constant 16 : i32
    %add3A_0 = arith.addi %arg0, %add3A : i32
    %c0_i32 = arith.constant 0 : i32
    %c0_i32_1 = arith.constant 0 : i32
    return %add3A_0, %c0_i32 : i32, i32
  }
  func.func @transform_2(%arg0: i32) -> (i32, i32) {
    %c0_i32 = arith.constant 0 : i32
    %c0_i32_0 = arith.constant 0 : i32
    return %arg0, %c0_i32 : i32, i32
  }
  func.func @transform_3(%arg0: i32) -> (i32, i32) {
    %c0_i32 = arith.constant 0 : i32
    %c0_i32_0 = arith.constant 0 : i32
    return %arg0, %c0_i32 : i32, i32
  }
  func.func @transform_4(%arg0: i32) -> (i32, i32) {
    %c0_i32 = arith.constant 0 : i32
    %c0_i32_0 = arith.constant 0 : i32
    %c0_i32_1 = arith.constant 0 : i32
    return %c0_i32, %c0_i32_0 : i32, i32
  }
  func.func @transform_5(%arg0: i32) -> (i32, i32) {
    %c0_i32 = arith.constant 0 : i32
    %c0_i32_0 = arith.constant 0 : i32
    return %arg0, %c0_i32 : i32, i32
  }
  func.func @transform_6(%arg0: i32) -> (i32, i32) {
    %c0_i32 = arith.constant 0 : i32
    %c0_i32_0 = arith.constant 0 : i32
    %c0_i32_1 = arith.constant 0 : i32
    return %c0_i32, %c0_i32_0 : i32, i32
  }
  func.func @transform_7(%arg0: i32) -> (i32, i32) {
    %c0_i32 = arith.constant 0 : i32
    %c0_i32_0 = arith.constant 0 : i32
    %c0_i32_1 = arith.constant 0 : i32
    return %c0_i32, %c0_i32_0 : i32, i32
  }
  func.func @transform_8(%arg0: i32) -> (i32, i32) {
    %c0_i32 = arith.constant 0 : i32
    %c0_i32_0 = arith.constant 0 : i32
    return %arg0, %c0_i32 : i32, i32
  }
}

</mosaic_0001>

<sc_bundles>
// kernel: kernel.11.cloned.1.call-start
scs
__scs_entry_jumppad:
0x0: {  	(pc) =	sbr.rel $0x88, $3  }
0x1: {  	(tag) =	ssettag $0x0;
	lr =	simm.s32 $0x1  }
0x2: {  	[smem:$0x3F99] =	sst lr;
	_ =	strace $0xD0000000  }
0x3: {  	_ = 	snop  }
0x4: {  	_ = 	snop  }
0x5: {  	_ = 	snop  }
0x6: {  	_ = 	snop  }
0x7: {  	_ = 	snop  }
__scs_overlays_trampoline_lowered:
0x8: {  	[smem:$0x3FA8] =	sst s0  }
0x9: {  	[smem:$0x3FA9] =	sst s1  }
0xa: {  	[smem:$0x3FAA] =	sst s2  }
0xb: {  	[smem:$0x3FAB] =	sst s3  }
0xc: {  	[smem:$0x3FAC] =	sst s4  }
0xd: {  	[smem:$0x3FAD] =	sst s5  }
0xe: {  	[smem:$0x3FAE] =	sst s6  }
0xf: {  	[smem:$0x3FAF] =	sst s7  }
0x10: {  	[smem:$0x3FB0] =	sst s8  }
0x11: {  	[smem:$0x3FB1] =	sst s9;
	s0 =	simm.s32 @!p0 $0x0  }
0x12: {  	s1 =	sld [smem:$0x3F97];
	s0 =	simm.s32 @p0 $0x1  }
0x13: {  	[smem:$0x3FB2] =	sst s0;
	s0 =	simm.s32 @!p1 $0x0  }
0x14: {  	s2 =	sld [smem:$0x3F96];
	s0 =	simm.s32 @p1 $0x1  }
0x15: {  	[smem:$0x3FB3] =	sst s0;
	s0 =	simm.s32 @!p2 $0x0  }
0x16: {  	s3 =	sld [smem:$0x3FDB];
	s0 =	simm.s32 @p2 $0x1  }
0x17: {  	s4 =	simm.s32 $0x1BF5;
	[smem:$0x3FB5] =	sst s0  }
0x18: {  	s0 =	sld [smem:$0x3F98];
	_ =	swait.ge [sflag:s4], $0x0  }
0x19: {  	s7 =	sld [smem:$0x3F99]  }
0x1a: {  	s8 =	sadd.s32 $0xFFFFE003, lr  }
0x1b: {  	s9 =	sadd.s32 $0xFFFFFEF7, lr;
	s5 =	simm.s32 $0xFFFFFFFF;
	p2 =	slt.u32 s8, $0xFFFFF086  }
0x1c: {  	p1 =	slt.u32 s9, $0xF7A;
	s5 =	simm.s32 @!p2 $0x0  }
0x1d: {  	s5 =	simm.s32 @p1 $0x1;
	p0 =	seq.s32 s7, s2  }
0x1e: {  	s7 =	smul.u32 @!p0 $0xF7A, s2;
	p2 =	seq.s32 @!p0 s5, $0x0  }
0x1f: {  	s9 =	smul.u32 $0xF7A, s1;
	s8 =	simm.s32 @!p0 $0x1BF5;
	p2 =	por !p2, p0  }
0x20: {  	[sflag:s8] =	ssyncset.s32 @!p0 $0xFFFFF086;
	s6 =	sadd.s32 @!p0 s3, s7;
	s7 =	simm.s32 @!p0 $0x108  }
0x21: {  	s3 =	sadd.s32 s3, s9;
	s6 =	sadd.s32 @!p0 $0x88, s6;
	s7 =	simm.s32 @p2 $0x1082  }
0x22: {  	[simem:s7], [sflag:s8] =	dma.local @!p0 [hbm:s6], $0xF7A  }
0x23: {  	s9 =	sor.u32 $0xD0000000, s2;
	s6 =	simm.s32 $0x108;
	_ =	swait.ge @!p0 [sflag:s8], $0x0  }
0x24: {  	s3 =	sadd.s32 $0x88, s3;
	s6 =	simm.s32 @!p1 $0x1082;
	[sflag:s4] =	ssyncset.s32 $0xFFFFF086  }
0x25: {  	[simem:s6], [sflag:s4] =	dma.local [hbm:s3], $0xF7A  }
0x26: {  	[smem:$0x3F99] =	sst s1;
	(tag) =	ssettag s2;
	_ =	strace s9  }
0x27: {  	s1 =	sld [smem:$0x3FA9]  }
0x28: {  	s2 =	sld [smem:$0x3FAA]  }
0x29: {  	s4 =	sld [smem:$0x3FAC]  }
0x2a: {  	p0 =	seq.s32 s5, $0x0;
	s5 =	sld [smem:$0x3FAD]  }
0x2b: {  	s6 =	sld [smem:$0x3FAE]  }
0x2c: {  	s7 =	sld [smem:$0x3FAF]  }
0x2d: {  	s3 =	simm.s32 $0x108;
	s8 =	sld [smem:$0x3FB0]  }
0x2e: {  	s3 =	simm.s32 @!p0 $0x1082;
	s9 =	sld [smem:$0x3FB1]  }
0x2f: {  	lr =	sadd.s32 s0, s3;
	s0 =	sld [smem:$0x3FA8]  }
0x30: {  	s3 =	sld [smem:$0x3FAB]  }
0x31: {  	[smem:$0x3FB4] =	sst s10  }
0x32: {  	s10 =	sld [smem:$0x3FB2];
	_ =	sdelay $0x3  }
0x33: {  	p0 =	seq.s32 s10, $0x1;
	s10 =	sld [smem:$0x3FB4];
	_ =	sdelay $0x3  }
0x34: {  	[smem:$0x3FB4] =	sst s10  }
0x35: {  	s10 =	sld [smem:$0x3FB3];
	_ =	sdelay $0x3  }
0x36: {  	p1 =	seq.s32 s10, $0x1;
	s10 =	sld [smem:$0x3FB4];
	_ =	sdelay $0x3  }
0x37: {  	[smem:$0x3FB4] =	sst s10  }
0x38: {  	s10 =	sld [smem:$0x3FB5]  }
0x39: {  	_ = 	snop;
	(pc) =	sbr.ind lr, $3  }
0x3a: {  	_ = 	snop  }
0x3b: {  	_ = 	snop  }
0x3c: {  	p2 =	seq.s32 s10, $0x1;
	s10 =	sld [smem:$0x3FB4]  }
0x3d: {  	_ =	shalt  }
0x3e: {  	_ =	shalt  }
0x3f: {  	_ =	shalt  }
0x40: {  	_ =	shalt  }
0x41: {  	_ =	shalt  }
0x42: {  	_ =	shalt  }
0x43: {  	_ =	shalt  }
0x44: {  	_ =	shalt  }
0x45: {  	_ =	shalt  }
0x46: {  	_ =	shalt  }
0x47: {  	_ =	shalt  }
0x48: {  	_ =	shalt  }
0x49: {  	_ =	shalt  }
0x4a: {  	_ =	shalt  }
0x4b: {  	_ =	shalt  }
0x4c: {  	_ =	shalt  }
0x4d: {  	_ =	shalt  }
0x4e: {  	_ =	shalt  }
0x4f: {  	_ =	shalt  }
0x50: {  	_ =	shalt  }
0x51: {  	_ =	shalt  }
0x52: {  	_ =	shalt  }
0x53: {  	_ =	shalt  }
0x54: {  	_ =	shalt  }
0x55: {  	_ =	shalt  }
0x56: {  	_ =	shalt  }
0x57: {  	_ =	shalt  }
0x58: {  	_ =	shalt  }
0x59: {  	_ =	shalt  }
0x5a: {  	_ =	shalt  }
0x5b: {  	_ =	shalt  }
0x5c: {  	_ =	shalt  }
0x5d: {  	_ =	shalt  }
0x5e: {  	_ =	shalt  }
0x5f: {  	_ =	shalt  }
0x60: {  	_ =	shalt  }
0x61: {  	_ =	shalt  }
0x62: {  	_ =	shalt  }
0x63: {  	_ =	shalt  }
0x64: {  	_ =	shalt  }
0x65: {  	_ =	shalt  }
0x66: {  	_ =	shalt  }
0x67: {  	_ =	shalt  }
0x68: {  	_ =	shalt  }
0x69: {  	_ =	shalt  }
0x6a: {  	_ =	shalt  }
0x6b: {  	_ =	shalt  }
0x6c: {  	_ =	shalt  }
0x6d: {  	_ =	shalt  }
0x6e: {  	_ =	shalt  }
0x6f: {  	_ =	shalt  }
0x70: {  	_ =	shalt  }
0x71: {  	_ =	shalt  }
0x72: {  	_ =	shalt  }
0x73: {  	_ =	shalt  }
0x74: {  	_ =	shalt  }
0x75: {  	_ =	shalt  }
0x76: {  	_ =	shalt  }
0x77: {  	_ =	shalt  }
0x78: {  	_ =	shalt  }
0x79: {  	_ =	shalt  }
0x7a: {  	_ =	shalt  }
0x7b: {  	_ =	shalt  }
0x7c: {  	_ =	shalt  }
0x7d: {  	_ =	shalt  }
0x7e: {  	_ =	shalt  }
0x7f: {  	_ =	shalt  }
0x80: {  	_ =	shalt  }
0x81: {  	_ =	shalt  }
0x82: {  	_ =	shalt  }
0x83: {  	_ =	shalt  }
0x84: {  	_ =	shalt  }
0x85: {  	_ =	shalt  }
0x86: {  	_ =	shalt  }
0x87: {  	_ =	shalt  }
.Lfunc_end0:
.L_simem_size_0:
called_computation.1_lowered:
.L_overlay_start_0:
0x88: {  	s2 =	sld [smem:$0x3FD9]  }
0x89: {  	s3 =	sld [smem:$0x3FFE];
	_ =	sdelay $0x1  }
0x8a: {  	s1 =	srdreg.scid  }
0x8b: {  	s0 =	sand.u32 $0x1, s1  }
0x8c: {  	s17 =	sshll.u32 s0, $0xA;
	s2 =	sadd.s32 s3, s2  }
0x8d: {  	s2 =	sadd.s32 s2, s17  }
0x8e: {  	[smem:$0x3FC0] =	sst s2  }
0x8f: {  	_ = 	snop  }
0x90: {  	s2 =	sld [smem:$0x3FD0];
	(tm) =	ssettm $0x1  }
0x91: {  	s18 =	sld [smem:$0x3FFB];
	_ =	sdelay $0x3  }
0x92: {  	_ =	strace s18  }
0x93: {  	s3 =	sld [smem:$0x3FFC];
	_ =	sdelay $0x3  }
0x94: {  	_ =	strace s3  }
0x95: {  	s3 =	sld [smem:$0x3FFD];
	_ =	sdelay $0x3  }
0x96: {  	_ =	strace s3  }
0x97: {  	_ =	strace $0x8FFFFFFF  }
0x98: {  	s19 =	sld [smem:$0x3FDB];
	_ =	sdelay $0x1  }
0x99: {  	s4 =	simm.s32 $_scs_section_size  }
0x9a: {  	s5 =	simm.s32 $_size__tile_overlayer_lowered;
	s6 =	simm.s32 $_tile_overlayer_lowered  }
0x9b: {  	s22 =	simm.s32 $0x1BFF;
	s21 =	sshll.u32 s6, $0x1;
	s3 =	sadd.s32 s4, s19  }
0x9c: {  	s7 =	simm.s32 $0x0;
	s20 =	sshll.u32 s5, $0x1;
	s5 =	sadd.s32 s21, s3  }
0x9d: {  	[timem:s7], [sflag:s22] =	dma.local [hbm:s5], s20  }
0x9e: {  	_ =	swait.ge [sflag:s22], s20  }
0x9f: {  	s4 =	ssub.s32 $0x0, s20;
	[sflag:s22] =	ssyncset.done $0x0  }
0xa0: {  	[sflag:s22] =	ssyncadd.s32 s4;
	_ =	sdelay $0x1  }
0xa1: {  	s23 =	simm.s32 $0x1B8B  }
0xa2: {  	_ =	swait.ge [sflag:s23], $0x1  }
0xa3: {  	[sflag:s23] =	ssyncset.done $0x0  }
0xa4: {  	s25 =	simm.s32 $0x1B8E;
	s24 =	sld [smem:$0x3FFE];
	[sflag:s23] =	ssyncadd.s32 $0xFFFFFFFF  }
0xa5: {  	s26 =	simm.s32 $execute0_lowered;
	[smem:$0x3FD2] =	sst s25  }
0xa6: {  	s5 =	sshll.u32 s26, $0x1;
	_ =	strace $0x80000049;
	[dreg:$0x1] =	wrdreg $0xFFFFFFFF  }
0xa7: {  	s28 =	simm.s32 $_size_execute0_lowered;
	s3 =	sadd.s32 s3, s5;
	[dreg:$0x0] =	wrdreg $0x0  }
0xa8: {  	s5 =	sshll.u32 s28, $0x1;
	[dreg:$0x2] =	wrdreg s3  }
0xa9: {  	[dreg:$0x3] =	wrdreg s5  }
0xaa: {  	[dreg:$0x4] =	wrdreg $0xC0  }
0xab: {  	_ =	task [dreg:s7], $0x5FFFF  }
0xac: {  	[dreg:$0x1] =	wrdreg $0xFFFFFFFF  }
0xad: {  	[dreg:$0x0] =	wrdreg $0x60  }
0xae: {  	[dreg:$0x2] =	wrdreg s2  }
0xaf: {  	[dreg:$0x3] =	wrdreg s24  }
0xb0: {  	[dreg:$0x4] =	wrdreg $0xA0000  }
0xb1: {  	[dreg:$0x5] =	wrdreg $0x9  }
0xb2: {  	_ =	task.clear_ibuf [dreg:s7], $0x6FFFF;
	_ =	strace $0x90000049  }
0xb3: {  	s29 =	simm.s32 $0x9;
	_ =	strace $0x8000004B  }
0xb4: {  	_ =	swait.ge [sflag:s29], $0x1  }
0xb5: {  	[sflag:s29] =	ssyncadd.s32 $0xFFFFFFFF  }
0xb6: {  	_ =	strace $0x9000004B  }
0xb7: {  	_ =	sfence  }
0xb8: {  	s30 =	sld [smem:$0x0];
	_ =	sdelay $0x2  }
0xb9: {  	s31 =	sshll.u32 s1, $0xD;
	s1 =	sshrl.u32 s1, $0x2  }
0xba: {  	s3 =	sand.u32 $0x4000, s31;
	s1 =	sadd.s32 s1, s30  }
0xbb: {  	s0 =	sor.u32 s3, s0;
	s1 =	sshll.u32 s1, $0x11  }
0xbc: {  	s0 =	sor.u32 s1, s0  }
0xbd: {  	s0 =	sadd.s32 $0x8F2B, s0  }
0xbe: {  	[sflag:s0] =	ssyncadd.remote.s32 $0x1  }
0xbf: {  	_ =	sfence.sel $0xFFFF  }
0xc0: {  	[dreg:$0x0] =	wrdreg $0xFFFFFFFF;
	(pc) =	sbr.abs _section_cstart, $3  }
0xc1: {  	[dreg:$0x1] =	wrdreg $0xFFFFFFFF  }
0xc2: {  	_ =	task.clear_ibuf [dreg:s7], $0x2FFFF;
	_ =	strace $0x9FFFFFFF  }
0xc3: {  	(tm) =	ssettm $0x7FFFFFFF  }
tec
execute0_lowered:
.L_overlay_start_1:
0x0: {  	(tag) =	ssettag $0x1  }
0x1: {  	s1 =	rddreg [dreg:$0x0]  }
0x2: {  	s6 =	rddreg [dreg:$0x1]  }
0x3: {  	s3 =	rddreg [dreg:$0x2]  }
0x4: {  	s0 =	rddreg [dreg:$0x3]  }
0x5: {  	s5 =	srdreg.scid;
	s2 =	stileid.u32;
	s4 =	simm.s32 $0x0  }
0x6: {  	s18 =	simm.s32 $0x80;
	s19 =	simm.s32 $0x2000;
	s20 =	simm.s32 $0x6000  }
0x7: {  	s21 =	simm.s32 $0x0;
	s7 =	sand.u32 $0x1, s5;
	s23 =	smul.u32 $0x2800, s2  }
0x8: {  	[smem:$0x7FF] =	sst s4;
	s10 =	sadd.s32 $0x2E00, s6;
	s14 =	smul.u32 $0x50000, s2  }
0x9: {  	s11 =	sadd.s32 $0xCE00, s6;
	s5 =	sadd.s32 $0x16E00, s6;
	s17 =	smul.u32 $0x500, s2  }
0xa: {  	s28 =	sshll.u32 s2, $0x6;
	s8 =	smul.u32 $0x28000, s7;
	s9 =	sshll.u32 s7, $0x4  }
0xb: {  	_ =	strace $0x8000004A;
	s24 =	ssub.s32 $0x2, s7;
	s29 =	smul.u32 $0x5000, s7  }
0xc: {  	s7 =	sor.u32 $0x1C04, s28;
	s9 =	sor.u32 s2, s9;
	s25 =	sshrl.u32 s24, $0x1  }
0xd: {  	s26 =	sshrl.u32 s14, $0x2;
	s8 =	sadd.s32 s23, s8;
	s12 =	smul.u32 $0x50, s9  }
0xe: {  	s15 =	ssub.s32 s24, s25;
	s9 =	smul.u32 $0x500, s9;
	s16 =	sadd.s32 s26, s3  }
0xf: {  	s30 =	sadd.s32 s29, s10;
	s31 =	sadd.s32 s29, s11;
	s13 =	sadd.s32 s8, s6  }
.Ltmp0:
0x10: {  	s14 =	sshrl.u32 s16, $0x3;
	s16 =	simm.s32 $0x1000;
	(pc) =	sbr.rel .LBB2_1-.Ltmp0, $4  }
0x11: {  	s12 =	ssub.s32 $0x9C4, s12;
	s8 =	sadd.s32 s10, s9;
	s9 =	sadd.s32 s11, s9  }
0x12: {  	s10 =	sadd.s32 $0x19600, s13;
	s11 =	smax.u32 s15, $0x1;
	s13 =	sadd.s32 s17, s31  }
0x13: {  	s15 =	simm.s32 $0x4;
	s6 =	smin.u32 s12, $0x50;
	s12 =	sadd.s32 s17, s30  }
0x14: {  	s13 =	sadd.s32 $0x100, s13;
	s17 =	simm.s32 $0x3;
	s12 =	sadd.s32 $0x100, s12  }
.LBB2_6:
0x15: {  	s21 =	sadd.s32 $0x1, s21  }
0x16: {  	p0 =	sne.s32 s21, s11  }
.Ltmp1:
0x17: {  	[bflag:$0x0] =	sbarrier.arrive $0xFFFF;
	(pc) =	sbr.rel @!p0 .LBB2_7-.Ltmp1, $4  }
0x18: {  	[hbm:s10], [sflag:s7] =	dma.local [spmem:s14], $0x2800  }
0x19: {  	_ =	swait.ge [sflag:s15], $0x2800  }
0x1a: {  	[sflag:s15] =	ssyncset.done $0x0  }
0x1b: {  	[sflag:s15] =	ssyncadd.s32 $0xFFFFD800  }
.LBB2_1:
0x1c: {  	[spmem:s14], [sflag:s7] =	dma.local [hbm:s5], $0x2800  }
0x1d: {  	_ =	swait.ge [sflag:s15], $0x2800  }
0x1e: {  	[sflag:s15] =	ssyncset.done $0x0  }
0x1f: {  	[sflag:s15] =	ssyncadd.s32 $0xFFFFD800  }
0x20: {  	[tilespmem:s4], [sflag:$0x3] =	stream.linear.gather [hbm4b:s8+s4], $0x800, $0x38;
	[tilespmem:$0x1E000] =	vst v63  }
0x21: {  	_ = 	snop  }
0x22: {  	[tilespmem:s16], [sflag:$0x3] =	stream.linear.gather [hbm4b:s9+s4], $0x800, $0x38;
	[tilespmem:$0x1E000] =	vst v63  }
0x23: {  	_ =	swait.ge [sflag:s17], $0x800  }
0x24: {  	[sflag:s17] =	ssyncset.done $0x0  }
0x25: {  	[sflag:s17] =	ssyncadd.s32 $0xFFFFF800  }
0x26: {  	_ =	swait.ge [sflag:s17], $0x800  }
0x27: {  	[sflag:s17] =	ssyncset.done $0x0  }
.Ltmp2:
0x28: {  	[sflag:s17] =	ssyncadd.s32 $0xFFFFF800;
	(pc) =	sbr.rel .LBB2_2-.Ltmp2, $4  }
0x29: {  	s22 =	smov.u32 s13;
	s23 =	smov.u32 s12;
	[bflag:$0x0] =	sbarrier.arrive $0xFFFF  }
0x2a: {  	[tilespmem:s19], [sflag:$0x1] =	stream.indirect.gather [hbm4b:s1+s18], $0x80, s4, s18, $0xb8;
	[tilespmem:$0x1E000] =	vst v63  }
0x2b: {  	s24 =	simm.s32 $0x0;
	s25 =	simm.s32 $0x0;
	s26 =	simm.s32 $0x0  }
0x2c: {  	[tilespmem:s20], [sflag:$0x2] =	stream.indirect.gather [hbm4b:s1+s18], $0x80, s18, s18, $0xb8;
	[tilespmem:$0x1E000] =	vst v63  }
.LBB2_4:
0x2d: {  	p1 =	sne.s32 s28, $0xE;
	s28 =	sadd.s32 $0x2, s25  }
0x2e: {  	p2 =	sge.u32 @!p1 s28, s6  }
0x2f: {  	p3 =	por p2, p1  }
0x30: {  	s29 =	simm.s32 @!p3 $0x3  }
0x31: {  	_ =	swait.ge @!p3 [sflag:s29], $0x800  }
0x32: {  	[sflag:s29] =	ssyncset.done @!p3 $0x0  }
0x33: {  	p0 =	slt.u32 s28, s6;
	[sflag:s29] =	ssyncadd.s32 @!p3 $0xFFFFF800  }
0x34: {  	p2 =	por !p2, p1;
	p4 =	por @!p3 $0x1, $0x1;
	_ =	swait.ge @!p3 [sflag:s29], $0x800  }
0x35: {  	s28 =	sshll.u32 s26, $0x1;
	p4 =	por @!p2 p0, p0;
	[sflag:s29] =	ssyncset.done @!p3 $0x0  }
0x36: {  	s28 =	sadd.s32 $0x2, s28;
	p0 =	por @!p1 p4, p4;
	[sflag:s29] =	ssyncadd.s32 @!p3 $0xFFFFF800  }
.LBB2_5:
0x37: {  	p1 =	sge.u32 s25, s6  }
0x38: {  	s29 =	simm.s32 @!p1 $0x1  }
0x39: {  	_ =	swait.ge @!p1 [sflag:s29], $0x4000  }
0x3a: {  	[sflag:s29] =	ssyncset.done @!p1 $0x0  }
0x3b: {  	[sflag:s29] =	ssyncadd.s32 @!p1 $0xFFFFC000;
	s29 =	sand.u32 @!p1 $0xF00, s24  }
0x3c: {  	s30 =	simm.s32 @!p1 $0x80;
	s31 =	simm.s32 @!p1 $0x2000;
	s29 =	sor.u32 @!p1 $0x1000, s29  }
0x3d: {  	[spmem:s3] =	stream.indirect.scatter.add.f32 @!p1 [tilespmem:s31], [sflag:$0x4], $0x80, s29, s30, $0xb8;
	[tilespmem:$0x1E000] =	vst v63  }
0x3e: {  	s29 =	simm.s32 @!p1 $0x4  }
0x3f: {  	s28 =	sshll.u32 @p0 s28, $0x7;
	_ =	swait.ge @!p1 [sflag:s29], $0x4000  }
0x40: {  	s28 =	sand.u32 @p0 $0xF00, s28;
	[sflag:s29] =	ssyncset.done @!p1 $0x0  }
0x41: {  	s30 =	simm.s32 @p0 $0x2000;
	[sflag:s29] =	ssyncadd.s32 @!p1 $0xFFFFC000;
	s29 =	simm.s32 @p0 $0x80  }
0x42: {  	[tilespmem:s30], [sflag:$0x1] =	stream.indirect.gather @p0 [hbm4b:s1+s29], $0x80, s28, s29, $0xb8;
	[tilespmem:$0x1E000] =	vst v63  }
0x43: {  	s30 =	sadd.s32 $0x1, s25  }
0x44: {  	p0 =	sge.u32 s30, s6  }
0x45: {  	s28 =	simm.s32 @!p0 $0x2  }
0x46: {  	_ =	swait.ge @!p0 [sflag:s28], $0x4000  }
0x47: {  	s29 =	sadd.s32 @!p0 $0x80, s24;
	[sflag:s28] =	ssyncset.done @!p0 $0x0  }
0x48: {  	[sflag:s28] =	ssyncadd.s32 @!p0 $0xFFFFC000;
	s28 =	sand.u32 @!p0 $0xF80, s29  }
0x49: {  	s30 =	simm.s32 @!p0 $0x6000;
	s29 =	simm.s32 @!p0 $0x80;
	s28 =	sor.u32 @!p0 $0x1000, s28  }
0x4a: {  	[spmem:s3] =	stream.indirect.scatter.add.f32 @!p0 [tilespmem:s30], [sflag:$0x4], $0x80, s28, s29, $0xb8;
	[tilespmem:$0x1E000] =	vst v63  }
0x4b: {  	s28 =	simm.s32 @!p0 $0x4  }
0x4c: {  	_ =	swait.ge @!p0 [sflag:s28], $0x4000  }
0x4d: {  	s31 =	sadd.s32 $0x3, s25;
	s25 =	sadd.s32 $0x2, s25;
	[sflag:s28] =	ssyncset.done @!p0 $0x0  }
0x4e: {  	[sflag:s28] =	ssyncadd.s32 @!p0 $0xFFFFC000;
	p0 =	sne.s32 s25, $0x50  }
.Ltmp3:
0x4f: {  	_ = 	snop;
	(pc) =	sbr.rel @!p0 .LBB2_6-.Ltmp3, $4  }
0x50: {  	s26 =	sadd.s32 $0x1, s26;
	s23 =	sadd.s32 $0x20, s23;
	p1 =	sge.u32 s31, s6  }
0x51: {  	s22 =	sadd.s32 $0x20, s22;
	s29 =	simm.s32 @!p1 $0x80;
	s28 =	sadd.s32 @!p1 $0x180, s24  }
0x52: {  	s30 =	simm.s32 @!p1 $0x6000;
	s24 =	sadd.s32 $0x100, s24;
	s28 =	sand.u32 @!p1 $0xF80, s28  }
0x53: {  	[tilespmem:s30], [sflag:$0x2] =	stream.indirect.gather @!p1 [hbm4b:s1+s29], $0x80, s28, s29, $0xb8;
	[tilespmem:$0x1E000] =	vst v63  }
.LBB2_2:
0x54: {  	s28 =	sand.u32 $0xE, s25  }
0x55: {  	s29 =	sadd.s32 $0x10, s25;
	p0 =	sne.s32 s28, $0x0  }
0x56: {  	p1 =	sge.u32 @!p0 s29, s6  }
0x57: {  	p0 =	por p0, p1  }
.Ltmp4:
0x58: {  	_ = 	snop;
	(pc) =	sbr.rel @p0 .LBB2_4-.Ltmp4, $1  }
0x59: {  	_ =	sdelay $0x3  }
0x5a: {  	s28 =	sxor.u32 $0xFFFFFFFF, s24  }
.Ltmp5:
0x5b: {  	s28 =	sand.u32 $0x800, s28;
	(pc) =	sbr.rel .LBB2_5-.Ltmp5, $4  }
0x5c: {  	[tilespmem:s28], [sflag:$0x3] =	stream.linear.gather [hbm4b:s23+s4], $0x800, $0x38;
	[tilespmem:$0x1E000] =	vst v63  }
0x5d: {  	s28 =	sor.u32 $0x1000, s28  }
0x5e: {  	[tilespmem:s28], [sflag:$0x3] =	stream.linear.gather [hbm4b:s22+s4], $0x800, $0x38;
	[tilespmem:$0x1E000] =	vst v63  }
0x5f: {  	p0 =	por $0x1, $0x1;
	s28 =	sadd.s32 $0x2, s25  }
.LBB2_7:
0x60: {  	_ =	sfence.sel $0x180000  }
0x61: {  	[bflag:$0x0] =	sbarrier.arrive $0xFFFF  }
0x62: {  	p0 =	sne.s32 s2, $0x0;
	_ =	strace $0x9000004A  }
0x63: {  	s0 =	sadd.s32 @!p0 $0x100000, s0;
	[bflag:$0x2] =	sbarrier.arrive $0xFFFF  }
0x64: {  	[sflag:s0] =	ssyncadd.tile.s32 @!p0 $0x1;
	_ =	shalt  }
.Lfunc_end2:
_tile_overlayer_lowered:
.L_overlay_start_2:
0x65: {  	(tag) =	ssettag $0x2  }
0x66: {  	s0 =	rddreg [dreg:$0x0];
	s2 =	stileid.u32  }
0x67: {  	s1 =	rddreg [dreg:$0x1];
	p0 =	sne.s32 s2, $0x0  }
0x68: {  	s3 =	rddreg [dreg:$0x2];
	[bflag:$0x3] =	sbarrier.arrive $0xFFFF;
	s2 =	simm.s32 @!p0 $0x1C04  }
0x69: {  	[timem:s3], [sflag:s2] =	dma.local @!p0 [hbm:s0], s1  }
0x6a: {  	s0 =	simm.s32 @!p0 $0x4  }
0x6b: {  	_ =	swait.ge @!p0 [sflag:s0], s1  }
0x6c: {  	s1 =	ssub.s32 @!p0 $0x0, s1;
	[sflag:s0] =	ssyncset.done @!p0 $0x0  }
0x6d: {  	[sflag:s0] =	ssyncadd.s32 @!p0 s1  }
0x6e: {  	[bflag:$0x3] =	sbarrier.arrive $0xFFFF  }
0x6f: {  	_ =	shalt  }

// kernel: kernel.14.cloned.1.call-start
scs
__scs_entry_jumppad:
0x0: {  	(pc) =	sbr.rel $0x88, $3  }
0x1: {  	(tag) =	ssettag $0x0;
	lr =	simm.s32 $0x1  }
0x2: {  	[smem:$0x3F99] =	sst lr;
	_ =	strace $0xD0000000  }
0x3: {  	_ = 	snop  }
0x4: {  	_ = 	snop  }
0x5: {  	_ = 	snop  }
0x6: {  	_ = 	snop  }
0x7: {  	_ = 	snop  }
__scs_overlays_trampoline_lowered:
0x8: {  	[smem:$0x3FA8] =	sst s0  }
0x9: {  	[smem:$0x3FA9] =	sst s1  }
0xa: {  	[smem:$0x3FAA] =	sst s2  }
0xb: {  	[smem:$0x3FAB] =	sst s3  }
0xc: {  	[smem:$0x3FAC] =	sst s4  }
0xd: {  	[smem:$0x3FAD] =	sst s5  }
0xe: {  	[smem:$0x3FAE] =	sst s6  }
0xf: {  	[smem:$0x3FAF] =	sst s7  }
0x10: {  	[smem:$0x3FB0] =	sst s8  }
0x11: {  	[smem:$0x3FB1] =	sst s9;
	s0 =	simm.s32 @!p0 $0x0  }
0x12: {  	s1 =	sld [smem:$0x3F97];
	s0 =	simm.s32 @p0 $0x1  }
0x13: {  	[smem:$0x3FB2] =	sst s0;
	s0 =	simm.s32 @!p1 $0x0  }
0x14: {  	s2 =	sld [smem:$0x3F96];
	s0 =	simm.s32 @p1 $0x1  }
0x15: {  	[smem:$0x3FB3] =	sst s0;
	s0 =	simm.s32 @!p2 $0x0  }
0x16: {  	s3 =	sld [smem:$0x3FDB];
	s0 =	simm.s32 @p2 $0x1  }
0x17: {  	s4 =	simm.s32 $0x1BF5;
	[smem:$0x3FB5] =	sst s0  }
0x18: {  	s0 =	sld [smem:$0x3F98];
	_ =	swait.ge [sflag:s4], $0x0  }
0x19: {  	s7 =	sld [smem:$0x3F99]  }
0x1a: {  	s8 =	sadd.s32 $0xFFFFE003, lr  }
0x1b: {  	s9 =	sadd.s32 $0xFFFFFEF7, lr;
	s5 =	simm.s32 $0xFFFFFFFF;
	p2 =	slt.u32 s8, $0xFFFFF086  }
0x1c: {  	p1 =	slt.u32 s9, $0xF7A;
	s5 =	simm.s32 @!p2 $0x0  }
0x1d: {  	s5 =	simm.s32 @p1 $0x1;
	p0 =	seq.s32 s7, s2  }
0x1e: {  	s7 =	smul.u32 @!p0 $0xF7A, s2;
	p2 =	seq.s32 @!p0 s5, $0x0  }
0x1f: {  	s9 =	smul.u32 $0xF7A, s1;
	s8 =	simm.s32 @!p0 $0x1BF5;
	p2 =	por !p2, p0  }
0x20: {  	[sflag:s8] =	ssyncset.s32 @!p0 $0xFFFFF086;
	s6 =	sadd.s32 @!p0 s3, s7;
	s7 =	simm.s32 @!p0 $0x108  }
0x21: {  	s3 =	sadd.s32 s3, s9;
	s6 =	sadd.s32 @!p0 $0x88, s6;
	s7 =	simm.s32 @p2 $0x1082  }
0x22: {  	[simem:s7], [sflag:s8] =	dma.local @!p0 [hbm:s6], $0xF7A  }
0x23: {  	s9 =	sor.u32 $0xD0000000, s2;
	s6 =	simm.s32 $0x108;
	_ =	swait.ge @!p0 [sflag:s8], $0x0  }
0x24: {  	s3 =	sadd.s32 $0x88, s3;
	s6 =	simm.s32 @!p1 $0x1082;
	[sflag:s4] =	ssyncset.s32 $0xFFFFF086  }
0x25: {  	[simem:s6], [sflag:s4] =	dma.local [hbm:s3], $0xF7A  }
0x26: {  	[smem:$0x3F99] =	sst s1;
	(tag) =	ssettag s2;
	_ =	strace s9  }
0x27: {  	s1 =	sld [smem:$0x3FA9]  }
0x28: {  	s2 =	sld [smem:$0x3FAA]  }
0x29: {  	s4 =	sld [smem:$0x3FAC]  }
0x2a: {  	p0 =	seq.s32 s5, $0x0;
	s5 =	sld [smem:$0x3FAD]  }
0x2b: {  	s6 =	sld [smem:$0x3FAE]  }
0x2c: {  	s7 =	sld [smem:$0x3FAF]  }
0x2d: {  	s3 =	simm.s32 $0x108;
	s8 =	sld [smem:$0x3FB0]  }
0x2e: {  	s3 =	simm.s32 @!p0 $0x1082;
	s9 =	sld [smem:$0x3FB1]  }
0x2f: {  	lr =	sadd.s32 s0, s3;
	s0 =	sld [smem:$0x3FA8]  }
0x30: {  	s3 =	sld [smem:$0x3FAB]  }
0x31: {  	[smem:$0x3FB4] =	sst s10  }
0x32: {  	s10 =	sld [smem:$0x3FB2];
	_ =	sdelay $0x3  }
0x33: {  	p0 =	seq.s32 s10, $0x1;
	s10 =	sld [smem:$0x3FB4];
	_ =	sdelay $0x3  }
0x34: {  	[smem:$0x3FB4] =	sst s10  }
0x35: {  	s10 =	sld [smem:$0x3FB3];
	_ =	sdelay $0x3  }
0x36: {  	p1 =	seq.s32 s10, $0x1;
	s10 =	sld [smem:$0x3FB4];
	_ =	sdelay $0x3  }
0x37: {  	[smem:$0x3FB4] =	sst s10  }
0x38: {  	s10 =	sld [smem:$0x3FB5]  }
0x39: {  	_ = 	snop;
	(pc) =	sbr.ind lr, $3  }
0x3a: {  	_ = 	snop  }
0x3b: {  	_ = 	snop  }
0x3c: {  	p2 =	seq.s32 s10, $0x1;
	s10 =	sld [smem:$0x3FB4]  }
0x3d: {  	_ =	shalt  }
0x3e: {  	_ =	shalt  }
0x3f: {  	_ =	shalt  }
0x40: {  	_ =	shalt  }
0x41: {  	_ =	shalt  }
0x42: {  	_ =	shalt  }
0x43: {  	_ =	shalt  }
0x44: {  	_ =	shalt  }
0x45: {  	_ =	shalt  }
0x46: {  	_ =	shalt  }
0x47: {  	_ =	shalt  }
0x48: {  	_ =	shalt  }
0x49: {  	_ =	shalt  }
0x4a: {  	_ =	shalt  }
0x4b: {  	_ =	shalt  }
0x4c: {  	_ =	shalt  }
0x4d: {  	_ =	shalt  }
0x4e: {  	_ =	shalt  }
0x4f: {  	_ =	shalt  }
0x50: {  	_ =	shalt  }
0x51: {  	_ =	shalt  }
0x52: {  	_ =	shalt  }
0x53: {  	_ =	shalt  }
0x54: {  	_ =	shalt  }
0x55: {  	_ =	shalt  }
0x56: {  	_ =	shalt  }
0x57: {  	_ =	shalt  }
0x58: {  	_ =	shalt  }
0x59: {  	_ =	shalt  }
0x5a: {  	_ =	shalt  }
0x5b: {  	_ =	shalt  }
0x5c: {  	_ =	shalt  }
0x5d: {  	_ =	shalt  }
0x5e: {  	_ =	shalt  }
0x5f: {  	_ =	shalt  }
0x60: {  	_ =	shalt  }
0x61: {  	_ =	shalt  }
0x62: {  	_ =	shalt  }
0x63: {  	_ =	shalt  }
0x64: {  	_ =	shalt  }
0x65: {  	_ =	shalt  }
0x66: {  	_ =	shalt  }
0x67: {  	_ =	shalt  }
0x68: {  	_ =	shalt  }
0x69: {  	_ =	shalt  }
0x6a: {  	_ =	shalt  }
0x6b: {  	_ =	shalt  }
0x6c: {  	_ =	shalt  }
0x6d: {  	_ =	shalt  }
0x6e: {  	_ =	shalt  }
0x6f: {  	_ =	shalt  }
0x70: {  	_ =	shalt  }
0x71: {  	_ =	shalt  }
0x72: {  	_ =	shalt  }
0x73: {  	_ =	shalt  }
0x74: {  	_ =	shalt  }
0x75: {  	_ =	shalt  }
0x76: {  	_ =	shalt  }
0x77: {  	_ =	shalt  }
0x78: {  	_ =	shalt  }
0x79: {  	_ =	shalt  }
0x7a: {  	_ =	shalt  }
0x7b: {  	_ =	shalt  }
0x7c: {  	_ =	shalt  }
0x7d: {  	_ =	shalt  }
0x7e: {  	_ =	shalt  }
0x7f: {  	_ =	shalt  }
0x80: {  	_ =	shalt  }
0x81: {  	_ =	shalt  }
0x82: {  	_ =	shalt  }
0x83: {  	_ =	shalt  }
0x84: {  	_ =	shalt  }
0x85: {  	_ =	shalt  }
0x86: {  	_ =	shalt  }
0x87: {  	_ =	shalt  }
.Lfunc_end0:
.L_simem_size_0:
called_computation.2_lowered:
.L_overlay_start_0:
0x88: {  	s2 =	sld [smem:$0x3FD9]  }
0x89: {  	s3 =	sld [smem:$0x3FFE];
	_ =	sdelay $0x1  }
0x8a: {  	s1 =	srdreg.scid  }
0x8b: {  	s0 =	sand.u32 $0x1, s1  }
0x8c: {  	s17 =	sshll.u32 s0, $0xA;
	s2 =	sadd.s32 s3, s2  }
0x8d: {  	s2 =	sadd.s32 s2, s17  }
0x8e: {  	[smem:$0x3FC0] =	sst s2  }
0x8f: {  	_ = 	snop  }
0x90: {  	s2 =	sld [smem:$0x3FD0];
	(tm) =	ssettm $0x1  }
0x91: {  	s18 =	sld [smem:$0x3FFB];
	_ =	sdelay $0x3  }
0x92: {  	_ =	strace s18  }
0x93: {  	s3 =	sld [smem:$0x3FFC];
	_ =	sdelay $0x3  }
0x94: {  	_ =	strace s3  }
0x95: {  	s3 =	sld [smem:$0x3FFD];
	_ =	sdelay $0x3  }
0x96: {  	_ =	strace s3  }
0x97: {  	_ =	strace $0x8FFFFFFF  }
0x98: {  	s19 =	sld [smem:$0x3FDB];
	_ =	sdelay $0x1  }
0x99: {  	s4 =	simm.s32 $_scs_section_size  }
0x9a: {  	s5 =	simm.s32 $_size__tile_overlayer_lowered;
	s6 =	simm.s32 $_tile_overlayer_lowered  }
0x9b: {  	s22 =	simm.s32 $0x1BFF;
	s21 =	sshll.u32 s6, $0x1;
	s3 =	sadd.s32 s4, s19  }
0x9c: {  	s7 =	simm.s32 $0x0;
	s20 =	sshll.u32 s5, $0x1;
	s5 =	sadd.s32 s21, s3  }
0x9d: {  	[timem:s7], [sflag:s22] =	dma.local [hbm:s5], s20  }
0x9e: {  	_ =	swait.ge [sflag:s22], s20  }
0x9f: {  	s4 =	ssub.s32 $0x0, s20;
	[sflag:s22] =	ssyncset.done $0x0  }
0xa0: {  	[sflag:s22] =	ssyncadd.s32 s4;
	_ =	sdelay $0x1  }
0xa1: {  	s23 =	simm.s32 $0x1B8B  }
0xa2: {  	_ =	swait.ge [sflag:s23], $0x1  }
0xa3: {  	[sflag:s23] =	ssyncset.done $0x0  }
0xa4: {  	s25 =	simm.s32 $0x1B8E;
	s24 =	sld [smem:$0x3FFE];
	[sflag:s23] =	ssyncadd.s32 $0xFFFFFFFF  }
0xa5: {  	s26 =	simm.s32 $execute0_lowered;
	[smem:$0x3FD2] =	sst s25  }
0xa6: {  	s5 =	sshll.u32 s26, $0x1;
	_ =	strace $0x8000004C;
	[dreg:$0x1] =	wrdreg $0xFFFFFFFF  }
0xa7: {  	s28 =	simm.s32 $_size_execute0_lowered;
	s3 =	sadd.s32 s3, s5;
	[dreg:$0x0] =	wrdreg $0x0  }
0xa8: {  	s5 =	sshll.u32 s28, $0x1;
	[dreg:$0x2] =	wrdreg s3  }
0xa9: {  	[dreg:$0x3] =	wrdreg s5  }
0xaa: {  	[dreg:$0x4] =	wrdreg $0xC0  }
0xab: {  	_ =	task [dreg:s7], $0x5FFFF  }
0xac: {  	[dreg:$0x1] =	wrdreg $0xFFFFFFFF  }
0xad: {  	[dreg:$0x0] =	wrdreg $0x60  }
0xae: {  	[dreg:$0x2] =	wrdreg s2  }
0xaf: {  	[dreg:$0x3] =	wrdreg s24  }
0xb0: {  	[dreg:$0x4] =	wrdreg $0xA0000  }
0xb1: {  	[dreg:$0x5] =	wrdreg $0x9  }
0xb2: {  	_ =	task.clear_ibuf [dreg:s7], $0x6FFFF;
	_ =	strace $0x9000004C  }
0xb3: {  	s29 =	simm.s32 $0x9;
	_ =	strace $0x8000004E  }
0xb4: {  	_ =	swait.ge [sflag:s29], $0x1  }
0xb5: {  	[sflag:s29] =	ssyncadd.s32 $0xFFFFFFFF  }
0xb6: {  	_ =	strace $0x9000004E  }
0xb7: {  	_ =	sfence  }
0xb8: {  	s30 =	sld [smem:$0x0];
	_ =	sdelay $0x2  }
0xb9: {  	s31 =	sshll.u32 s1, $0xD;
	s1 =	sshrl.u32 s1, $0x2  }
0xba: {  	s3 =	sand.u32 $0x4000, s31;
	s1 =	sadd.s32 s1, s30  }
0xbb: {  	s0 =	sor.u32 s3, s0;
	s1 =	sshll.u32 s1, $0x11  }
0xbc: {  	s0 =	sor.u32 s1, s0  }
0xbd: {  	s0 =	sadd.s32 $0x8F2B, s0  }
0xbe: {  	[sflag:s0] =	ssyncadd.remote.s32 $0x1  }
0xbf: {  	_ =	sfence.sel $0xFFFF  }
0xc0: {  	[dreg:$0x0] =	wrdreg $0xFFFFFFFF;
	(pc) =	sbr.abs _section_cstart, $3  }
0xc1: {  	[dreg:$0x1] =	wrdreg $0xFFFFFFFF  }
0xc2: {  	_ =	task.clear_ibuf [dreg:s7], $0x2FFFF;
	_ =	strace $0x9FFFFFFF  }
0xc3: {  	(tm) =	ssettm $0x7FFFFFFF  }
tec
execute0_lowered:
.L_overlay_start_1:
0x0: {  	(tag) =	ssettag $0x1  }
0x1: {  	s1 =	rddreg [dreg:$0x0]  }
0x2: {  	s6 =	rddreg [dreg:$0x1]  }
0x3: {  	s3 =	rddreg [dreg:$0x2]  }
0x4: {  	s0 =	rddreg [dreg:$0x3]  }
0x5: {  	s5 =	srdreg.scid;
	s2 =	stileid.u32;
	s4 =	simm.s32 $0x0  }
0x6: {  	s18 =	simm.s32 $0x80;
	s19 =	simm.s32 $0x2000;
	s20 =	simm.s32 $0x6000  }
0x7: {  	s21 =	simm.s32 $0x0;
	s7 =	sand.u32 $0x1, s5;
	s23 =	smul.u32 $0x2800, s2  }
0x8: {  	[smem:$0x7FF] =	sst s4;
	s10 =	sadd.s32 $0x2E00, s6;
	s14 =	smul.u32 $0x50000, s2  }
0x9: {  	s11 =	sadd.s32 $0xCE00, s6;
	s5 =	sadd.s32 $0x16E00, s6;
	s17 =	smul.u32 $0x500, s2  }
0xa: {  	s28 =	sshll.u32 s2, $0x6;
	s8 =	smul.u32 $0x28000, s7;
	s9 =	sshll.u32 s7, $0x4  }
0xb: {  	_ =	strace $0x8000004D;
	s24 =	ssub.s32 $0x2, s7;
	s29 =	smul.u32 $0x5000, s7  }
0xc: {  	s7 =	sor.u32 $0x1C04, s28;
	s9 =	sor.u32 s2, s9;
	s25 =	sshrl.u32 s24, $0x1  }
0xd: {  	s26 =	sshrl.u32 s14, $0x2;
	s8 =	sadd.s32 s23, s8;
	s12 =	smul.u32 $0x50, s9  }
0xe: {  	s15 =	ssub.s32 s24, s25;
	s9 =	smul.u32 $0x500, s9;
	s16 =	sadd.s32 s26, s3  }
0xf: {  	s30 =	sadd.s32 s29, s10;
	s31 =	sadd.s32 s29, s11;
	s13 =	sadd.s32 s8, s6  }
.Ltmp0:
0x10: {  	s14 =	sshrl.u32 s16, $0x3;
	s16 =	simm.s32 $0x1000;
	(pc) =	sbr.rel .LBB2_1-.Ltmp0, $4  }
0x11: {  	s12 =	ssub.s32 $0x9C4, s12;
	s8 =	sadd.s32 s10, s9;
	s9 =	sadd.s32 s11, s9  }
0x12: {  	s10 =	sadd.s32 $0x19600, s13;
	s11 =	smax.u32 s15, $0x1;
	s13 =	sadd.s32 s17, s31  }
0x13: {  	s15 =	simm.s32 $0x4;
	s6 =	smin.u32 s12, $0x50;
	s12 =	sadd.s32 s17, s30  }
0x14: {  	s13 =	sadd.s32 $0x100, s13;
	s17 =	simm.s32 $0x3;
	s12 =	sadd.s32 $0x100, s12  }
.LBB2_6:
0x15: {  	s21 =	sadd.s32 $0x1, s21  }
0x16: {  	p0 =	sne.s32 s21, s11  }
.Ltmp1:
0x17: {  	[bflag:$0x0] =	sbarrier.arrive $0xFFFF;
	(pc) =	sbr.rel @!p0 .LBB2_7-.Ltmp1, $4  }
0x18: {  	[hbm:s10], [sflag:s7] =	dma.local [spmem:s14], $0x2800  }
0x19: {  	_ =	swait.ge [sflag:s15], $0x2800  }
0x1a: {  	[sflag:s15] =	ssyncset.done $0x0  }
0x1b: {  	[sflag:s15] =	ssyncadd.s32 $0xFFFFD800  }
.LBB2_1:
0x1c: {  	[spmem:s14], [sflag:s7] =	dma.local [hbm:s5], $0x2800  }
0x1d: {  	_ =	swait.ge [sflag:s15], $0x2800  }
0x1e: {  	[sflag:s15] =	ssyncset.done $0x0  }
0x1f: {  	[sflag:s15] =	ssyncadd.s32 $0xFFFFD800  }
0x20: {  	[tilespmem:s4], [sflag:$0x3] =	stream.linear.gather [hbm4b:s8+s4], $0x800, $0x38;
	[tilespmem:$0x1E000] =	vst v63  }
0x21: {  	_ = 	snop  }
0x22: {  	[tilespmem:s16], [sflag:$0x3] =	stream.linear.gather [hbm4b:s9+s4], $0x800, $0x38;
	[tilespmem:$0x1E000] =	vst v63  }
0x23: {  	_ =	swait.ge [sflag:s17], $0x800  }
0x24: {  	[sflag:s17] =	ssyncset.done $0x0  }
0x25: {  	[sflag:s17] =	ssyncadd.s32 $0xFFFFF800  }
0x26: {  	_ =	swait.ge [sflag:s17], $0x800  }
0x27: {  	[sflag:s17] =	ssyncset.done $0x0  }
.Ltmp2:
0x28: {  	[sflag:s17] =	ssyncadd.s32 $0xFFFFF800;
	(pc) =	sbr.rel .LBB2_2-.Ltmp2, $4  }
0x29: {  	s22 =	smov.u32 s13;
	s23 =	smov.u32 s12;
	[bflag:$0x0] =	sbarrier.arrive $0xFFFF  }
0x2a: {  	[tilespmem:s19], [sflag:$0x1] =	stream.indirect.gather [hbm4b:s1+s18], $0x80, s4, s18, $0xb8;
	[tilespmem:$0x1E000] =	vst v63  }
0x2b: {  	s24 =	simm.s32 $0x0;
	s25 =	simm.s32 $0x0;
	s26 =	simm.s32 $0x0  }
0x2c: {  	[tilespmem:s20], [sflag:$0x2] =	stream.indirect.gather [hbm4b:s1+s18], $0x80, s18, s18, $0xb8;
	[tilespmem:$0x1E000] =	vst v63  }
.LBB2_4:
0x2d: {  	p1 =	sne.s32 s28, $0xE;
	s28 =	sadd.s32 $0x2, s25  }
0x2e: {  	p2 =	sge.u32 @!p1 s28, s6  }
0x2f: {  	p3 =	por p2, p1  }
0x30: {  	s29 =	simm.s32 @!p3 $0x3  }
0x31: {  	_ =	swait.ge @!p3 [sflag:s29], $0x800  }
0x32: {  	[sflag:s29] =	ssyncset.done @!p3 $0x0  }
0x33: {  	p0 =	slt.u32 s28, s6;
	[sflag:s29] =	ssyncadd.s32 @!p3 $0xFFFFF800  }
0x34: {  	p2 =	por !p2, p1;
	p4 =	por @!p3 $0x1, $0x1;
	_ =	swait.ge @!p3 [sflag:s29], $0x800  }
0x35: {  	s28 =	sshll.u32 s26, $0x1;
	p4 =	por @!p2 p0, p0;
	[sflag:s29] =	ssyncset.done @!p3 $0x0  }
0x36: {  	s28 =	sadd.s32 $0x2, s28;
	p0 =	por @!p1 p4, p4;
	[sflag:s29] =	ssyncadd.s32 @!p3 $0xFFFFF800  }
.LBB2_5:
0x37: {  	p1 =	sge.u32 s25, s6  }
0x38: {  	s29 =	simm.s32 @!p1 $0x1  }
0x39: {  	_ =	swait.ge @!p1 [sflag:s29], $0x4000  }
0x3a: {  	[sflag:s29] =	ssyncset.done @!p1 $0x0  }
0x3b: {  	[sflag:s29] =	ssyncadd.s32 @!p1 $0xFFFFC000;
	s29 =	sand.u32 @!p1 $0xF00, s24  }
0x3c: {  	s30 =	simm.s32 @!p1 $0x80;
	s31 =	simm.s32 @!p1 $0x2000;
	s29 =	sor.u32 @!p1 $0x1000, s29  }
0x3d: {  	[spmem:s3] =	stream.indirect.scatter.add.f32 @!p1 [tilespmem:s31], [sflag:$0x4], $0x80, s29, s30, $0xb8;
	[tilespmem:$0x1E000] =	vst v63  }
0x3e: {  	s29 =	simm.s32 @!p1 $0x4  }
0x3f: {  	s28 =	sshll.u32 @p0 s28, $0x7;
	_ =	swait.ge @!p1 [sflag:s29], $0x4000  }
0x40: {  	s28 =	sand.u32 @p0 $0xF00, s28;
	[sflag:s29] =	ssyncset.done @!p1 $0x0  }
0x41: {  	s30 =	simm.s32 @p0 $0x2000;
	[sflag:s29] =	ssyncadd.s32 @!p1 $0xFFFFC000;
	s29 =	simm.s32 @p0 $0x80  }
0x42: {  	[tilespmem:s30], [sflag:$0x1] =	stream.indirect.gather @p0 [hbm4b:s1+s29], $0x80, s28, s29, $0xb8;
	[tilespmem:$0x1E000] =	vst v63  }
0x43: {  	s30 =	sadd.s32 $0x1, s25  }
0x44: {  	p0 =	sge.u32 s30, s6  }
0x45: {  	s28 =	simm.s32 @!p0 $0x2  }
0x46: {  	_ =	swait.ge @!p0 [sflag:s28], $0x4000  }
0x47: {  	s29 =	sadd.s32 @!p0 $0x80, s24;
	[sflag:s28] =	ssyncset.done @!p0 $0x0  }
0x48: {  	[sflag:s28] =	ssyncadd.s32 @!p0 $0xFFFFC000;
	s28 =	sand.u32 @!p0 $0xF80, s29  }
0x49: {  	s30 =	simm.s32 @!p0 $0x6000;
	s29 =	simm.s32 @!p0 $0x80;
	s28 =	sor.u32 @!p0 $0x1000, s28  }
0x4a: {  	[spmem:s3] =	stream.indirect.scatter.add.f32 @!p0 [tilespmem:s30], [sflag:$0x4], $0x80, s28, s29, $0xb8;
	[tilespmem:$0x1E000] =	vst v63  }
0x4b: {  	s28 =	simm.s32 @!p0 $0x4  }
0x4c: {  	_ =	swait.ge @!p0 [sflag:s28], $0x4000  }
0x4d: {  	s31 =	sadd.s32 $0x3, s25;
	s25 =	sadd.s32 $0x2, s25;
	[sflag:s28] =	ssyncset.done @!p0 $0x0  }
0x4e: {  	[sflag:s28] =	ssyncadd.s32 @!p0 $0xFFFFC000;
	p0 =	sne.s32 s25, $0x50  }
.Ltmp3:
0x4f: {  	_ = 	snop;
	(pc) =	sbr.rel @!p0 .LBB2_6-.Ltmp3, $4  }
0x50: {  	s26 =	sadd.s32 $0x1, s26;
	s23 =	sadd.s32 $0x20, s23;
	p1 =	sge.u32 s31, s6  }
0x51: {  	s22 =	sadd.s32 $0x20, s22;
	s29 =	simm.s32 @!p1 $0x80;
	s28 =	sadd.s32 @!p1 $0x180, s24  }
0x52: {  	s30 =	simm.s32 @!p1 $0x6000;
	s24 =	sadd.s32 $0x100, s24;
	s28 =	sand.u32 @!p1 $0xF80, s28  }
0x53: {  	[tilespmem:s30], [sflag:$0x2] =	stream.indirect.gather @!p1 [hbm4b:s1+s29], $0x80, s28, s29, $0xb8;
	[tilespmem:$0x1E000] =	vst v63  }
.LBB2_2:
0x54: {  	s28 =	sand.u32 $0xE, s25  }
0x55: {  	s29 =	sadd.s32 $0x10, s25;
	p0 =	sne.s32 s28, $0x0  }
0x56: {  	p1 =	sge.u32 @!p0 s29, s6  }
0x57: {  	p0 =	por p0, p1  }
.Ltmp4:
0x58: {  	_ = 	snop;
	(pc) =	sbr.rel @p0 .LBB2_4-.Ltmp4, $1  }
0x59: {  	_ =	sdelay $0x3  }
0x5a: {  	s28 =	sxor.u32 $0xFFFFFFFF, s24  }
.Ltmp5:
0x5b: {  	s28 =	sand.u32 $0x800, s28;
	(pc) =	sbr.rel .LBB2_5-.Ltmp5, $4  }
0x5c: {  	[tilespmem:s28], [sflag:$0x3] =	stream.linear.gather [hbm4b:s23+s4], $0x800, $0x38;
	[tilespmem:$0x1E000] =	vst v63  }
0x5d: {  	s28 =	sor.u32 $0x1000, s28  }
0x5e: {  	[tilespmem:s28], [sflag:$0x3] =	stream.linear.gather [hbm4b:s22+s4], $0x800, $0x38;
	[tilespmem:$0x1E000] =	vst v63  }
0x5f: {  	p0 =	por $0x1, $0x1;
	s28 =	sadd.s32 $0x2, s25  }
.LBB2_7:
0x60: {  	_ =	sfence.sel $0x180000  }
0x61: {  	[bflag:$0x0] =	sbarrier.arrive $0xFFFF  }
0x62: {  	p0 =	sne.s32 s2, $0x0;
	_ =	strace $0x9000004D  }
0x63: {  	s0 =	sadd.s32 @!p0 $0x100000, s0;
	[bflag:$0x2] =	sbarrier.arrive $0xFFFF  }
0x64: {  	[sflag:s0] =	ssyncadd.tile.s32 @!p0 $0x1;
	_ =	shalt  }
.Lfunc_end2:
_tile_overlayer_lowered:
.L_overlay_start_2:
0x65: {  	(tag) =	ssettag $0x2  }
0x66: {  	s0 =	rddreg [dreg:$0x0];
	s2 =	stileid.u32  }
0x67: {  	s1 =	rddreg [dreg:$0x1];
	p0 =	sne.s32 s2, $0x0  }
0x68: {  	s3 =	rddreg [dreg:$0x2];
	[bflag:$0x3] =	sbarrier.arrive $0xFFFF;
	s2 =	simm.s32 @!p0 $0x1C04  }
0x69: {  	[timem:s3], [sflag:s2] =	dma.local @!p0 [hbm:s0], s1  }
0x6a: {  	s0 =	simm.s32 @!p0 $0x4  }
0x6b: {  	_ =	swait.ge @!p0 [sflag:s0], s1  }
0x6c: {  	s1 =	ssub.s32 @!p0 $0x0, s1;
	[sflag:s0] =	ssyncset.done @!p0 $0x0  }
0x6d: {  	[sflag:s0] =	ssyncadd.s32 @!p0 s1  }
0x6e: {  	[bflag:$0x3] =	sbarrier.arrive $0xFFFF  }
0x6f: {  	_ =	shalt  }

// kernel: kernel.8.cloned.1.call-start
scs
__scs_entry_jumppad:
0x0: {  	(pc) =	sbr.rel $0x88, $3  }
0x1: {  	(tag) =	ssettag $0x0;
	lr =	simm.s32 $0x1  }
0x2: {  	[smem:$0x3F99] =	sst lr;
	_ =	strace $0xD0000000  }
0x3: {  	_ = 	snop  }
0x4: {  	_ = 	snop  }
0x5: {  	_ = 	snop  }
0x6: {  	_ = 	snop  }
0x7: {  	_ = 	snop  }
__scs_overlays_trampoline_lowered:
0x8: {  	[smem:$0x3FA8] =	sst s0  }
0x9: {  	[smem:$0x3FA9] =	sst s1  }
0xa: {  	[smem:$0x3FAA] =	sst s2  }
0xb: {  	[smem:$0x3FAB] =	sst s3  }
0xc: {  	[smem:$0x3FAC] =	sst s4  }
0xd: {  	[smem:$0x3FAD] =	sst s5  }
0xe: {  	[smem:$0x3FAE] =	sst s6  }
0xf: {  	[smem:$0x3FAF] =	sst s7  }
0x10: {  	[smem:$0x3FB0] =	sst s8  }
0x11: {  	[smem:$0x3FB1] =	sst s9;
	s0 =	simm.s32 @!p0 $0x0  }
0x12: {  	s1 =	sld [smem:$0x3F97];
	s0 =	simm.s32 @p0 $0x1  }
0x13: {  	[smem:$0x3FB2] =	sst s0;
	s0 =	simm.s32 @!p1 $0x0  }
0x14: {  	s2 =	sld [smem:$0x3F96];
	s0 =	simm.s32 @p1 $0x1  }
0x15: {  	[smem:$0x3FB3] =	sst s0;
	s0 =	simm.s32 @!p2 $0x0  }
0x16: {  	s3 =	sld [smem:$0x3FDB];
	s0 =	simm.s32 @p2 $0x1  }
0x17: {  	s4 =	simm.s32 $0x1BF5;
	[smem:$0x3FB5] =	sst s0  }
0x18: {  	s0 =	sld [smem:$0x3F98];
	_ =	swait.ge [sflag:s4], $0x0  }
0x19: {  	s7 =	sld [smem:$0x3F99]  }
0x1a: {  	s8 =	sadd.s32 $0xFFFFE003, lr  }
0x1b: {  	s9 =	sadd.s32 $0xFFFFFEF7, lr;
	s5 =	simm.s32 $0xFFFFFFFF;
	p2 =	slt.u32 s8, $0xFFFFF086  }
0x1c: {  	p1 =	slt.u32 s9, $0xF7A;
	s5 =	simm.s32 @!p2 $0x0  }
0x1d: {  	s5 =	simm.s32 @p1 $0x1;
	p0 =	seq.s32 s7, s2  }
0x1e: {  	s7 =	smul.u32 @!p0 $0xF7A, s2;
	p2 =	seq.s32 @!p0 s5, $0x0  }
0x1f: {  	s9 =	smul.u32 $0xF7A, s1;
	s8 =	simm.s32 @!p0 $0x1BF5;
	p2 =	por !p2, p0  }
0x20: {  	[sflag:s8] =	ssyncset.s32 @!p0 $0xFFFFF086;
	s6 =	sadd.s32 @!p0 s3, s7;
	s7 =	simm.s32 @!p0 $0x108  }
0x21: {  	s3 =	sadd.s32 s3, s9;
	s6 =	sadd.s32 @!p0 $0x88, s6;
	s7 =	simm.s32 @p2 $0x1082  }
0x22: {  	[simem:s7], [sflag:s8] =	dma.local @!p0 [hbm:s6], $0xF7A  }
0x23: {  	s9 =	sor.u32 $0xD0000000, s2;
	s6 =	simm.s32 $0x108;
	_ =	swait.ge @!p0 [sflag:s8], $0x0  }
0x24: {  	s3 =	sadd.s32 $0x88, s3;
	s6 =	simm.s32 @!p1 $0x1082;
	[sflag:s4] =	ssyncset.s32 $0xFFFFF086  }
0x25: {  	[simem:s6], [sflag:s4] =	dma.local [hbm:s3], $0xF7A  }
0x26: {  	[smem:$0x3F99] =	sst s1;
	(tag) =	ssettag s2;
	_ =	strace s9  }
0x27: {  	s1 =	sld [smem:$0x3FA9]  }
0x28: {  	s2 =	sld [smem:$0x3FAA]  }
0x29: {  	s4 =	sld [smem:$0x3FAC]  }
0x2a: {  	p0 =	seq.s32 s5, $0x0;
	s5 =	sld [smem:$0x3FAD]  }
0x2b: {  	s6 =	sld [smem:$0x3FAE]  }
0x2c: {  	s7 =	sld [smem:$0x3FAF]  }
0x2d: {  	s3 =	simm.s32 $0x108;
	s8 =	sld [smem:$0x3FB0]  }
0x2e: {  	s3 =	simm.s32 @!p0 $0x1082;
	s9 =	sld [smem:$0x3FB1]  }
0x2f: {  	lr =	sadd.s32 s0, s3;
	s0 =	sld [smem:$0x3FA8]  }
0x30: {  	s3 =	sld [smem:$0x3FAB]  }
0x31: {  	[smem:$0x3FB4] =	sst s10  }
0x32: {  	s10 =	sld [smem:$0x3FB2];
	_ =	sdelay $0x3  }
0x33: {  	p0 =	seq.s32 s10, $0x1;
	s10 =	sld [smem:$0x3FB4];
	_ =	sdelay $0x3  }
0x34: {  	[smem:$0x3FB4] =	sst s10  }
0x35: {  	s10 =	sld [smem:$0x3FB3];
	_ =	sdelay $0x3  }
0x36: {  	p1 =	seq.s32 s10, $0x1;
	s10 =	sld [smem:$0x3FB4];
	_ =	sdelay $0x3  }
0x37: {  	[smem:$0x3FB4] =	sst s10  }
0x38: {  	s10 =	sld [smem:$0x3FB5]  }
0x39: {  	_ = 	snop;
	(pc) =	sbr.ind lr, $3  }
0x3a: {  	_ = 	snop  }
0x3b: {  	_ = 	snop  }
0x3c: {  	p2 =	seq.s32 s10, $0x1;
	s10 =	sld [smem:$0x3FB4]  }
0x3d: {  	_ =	shalt  }
0x3e: {  	_ =	shalt  }
0x3f: {  	_ =	shalt  }
0x40: {  	_ =	shalt  }
0x41: {  	_ =	shalt  }
0x42: {  	_ =	shalt  }
0x43: {  	_ =	shalt  }
0x44: {  	_ =	shalt  }
0x45: {  	_ =	shalt  }
0x46: {  	_ =	shalt  }
0x47: {  	_ =	shalt  }
0x48: {  	_ =	shalt  }
0x49: {  	_ =	shalt  }
0x4a: {  	_ =	shalt  }
0x4b: {  	_ =	shalt  }
0x4c: {  	_ =	shalt  }
0x4d: {  	_ =	shalt  }
0x4e: {  	_ =	shalt  }
0x4f: {  	_ =	shalt  }
0x50: {  	_ =	shalt  }
0x51: {  	_ =	shalt  }
0x52: {  	_ =	shalt  }
0x53: {  	_ =	shalt  }
0x54: {  	_ =	shalt  }
0x55: {  	_ =	shalt  }
0x56: {  	_ =	shalt  }
0x57: {  	_ =	shalt  }
0x58: {  	_ =	shalt  }
0x59: {  	_ =	shalt  }
0x5a: {  	_ =	shalt  }
0x5b: {  	_ =	shalt  }
0x5c: {  	_ =	shalt  }
0x5d: {  	_ =	shalt  }
0x5e: {  	_ =	shalt  }
0x5f: {  	_ =	shalt  }
0x60: {  	_ =	shalt  }
0x61: {  	_ =	shalt  }
0x62: {  	_ =	shalt  }
0x63: {  	_ =	shalt  }
0x64: {  	_ =	shalt  }
0x65: {  	_ =	shalt  }
0x66: {  	_ =	shalt  }
0x67: {  	_ =	shalt  }
0x68: {  	_ =	shalt  }
0x69: {  	_ =	shalt  }
0x6a: {  	_ =	shalt  }
0x6b: {  	_ =	shalt  }
0x6c: {  	_ =	shalt  }
0x6d: {  	_ =	shalt  }
0x6e: {  	_ =	shalt  }
0x6f: {  	_ =	shalt  }
0x70: {  	_ =	shalt  }
0x71: {  	_ =	shalt  }
0x72: {  	_ =	shalt  }
0x73: {  	_ =	shalt  }
0x74: {  	_ =	shalt  }
0x75: {  	_ =	shalt  }
0x76: {  	_ =	shalt  }
0x77: {  	_ =	shalt  }
0x78: {  	_ =	shalt  }
0x79: {  	_ =	shalt  }
0x7a: {  	_ =	shalt  }
0x7b: {  	_ =	shalt  }
0x7c: {  	_ =	shalt  }
0x7d: {  	_ =	shalt  }
0x7e: {  	_ =	shalt  }
0x7f: {  	_ =	shalt  }
0x80: {  	_ =	shalt  }
0x81: {  	_ =	shalt  }
0x82: {  	_ =	shalt  }
0x83: {  	_ =	shalt  }
0x84: {  	_ =	shalt  }
0x85: {  	_ =	shalt  }
0x86: {  	_ =	shalt  }
0x87: {  	_ =	shalt  }
.Lfunc_end0:
.L_simem_size_0:
called_computation_lowered:
.L_overlay_start_0:
0x88: {  	s2 =	sld [smem:$0x3FD9]  }
0x89: {  	s3 =	sld [smem:$0x3FFE];
	_ =	sdelay $0x1  }
0x8a: {  	s1 =	srdreg.scid  }
0x8b: {  	s0 =	sand.u32 $0x1, s1  }
0x8c: {  	s17 =	sshll.u32 s0, $0xA;
	s2 =	sadd.s32 s3, s2  }
0x8d: {  	s2 =	sadd.s32 s2, s17  }
0x8e: {  	[smem:$0x3FC0] =	sst s2  }
0x8f: {  	_ = 	snop  }
0x90: {  	s2 =	sld [smem:$0x3FD0];
	(tm) =	ssettm $0x1  }
0x91: {  	s18 =	sld [smem:$0x3FFB];
	_ =	sdelay $0x3  }
0x92: {  	_ =	strace s18  }
0x93: {  	s3 =	sld [smem:$0x3FFC];
	_ =	sdelay $0x3  }
0x94: {  	_ =	strace s3  }
0x95: {  	s3 =	sld [smem:$0x3FFD];
	_ =	sdelay $0x3  }
0x96: {  	_ =	strace s3  }
0x97: {  	_ =	strace $0x8FFFFFFF  }
0x98: {  	s19 =	sld [smem:$0x3FDB];
	_ =	sdelay $0x1  }
0x99: {  	s4 =	simm.s32 $_scs_section_size  }
0x9a: {  	s5 =	simm.s32 $_size__tile_overlayer_lowered;
	s6 =	simm.s32 $_tile_overlayer_lowered  }
0x9b: {  	s22 =	simm.s32 $0x1BFF;
	s21 =	sshll.u32 s6, $0x1;
	s3 =	sadd.s32 s4, s19  }
0x9c: {  	s7 =	simm.s32 $0x0;
	s20 =	sshll.u32 s5, $0x1;
	s5 =	sadd.s32 s21, s3  }
0x9d: {  	[timem:s7], [sflag:s22] =	dma.local [hbm:s5], s20  }
0x9e: {  	_ =	swait.ge [sflag:s22], s20  }
0x9f: {  	s4 =	ssub.s32 $0x0, s20;
	[sflag:s22] =	ssyncset.done $0x0  }
0xa0: {  	[sflag:s22] =	ssyncadd.s32 s4;
	_ =	sdelay $0x1  }
0xa1: {  	s23 =	simm.s32 $0x1B8B  }
0xa2: {  	_ =	swait.ge [sflag:s23], $0x1  }
0xa3: {  	[sflag:s23] =	ssyncset.done $0x0  }
0xa4: {  	s25 =	simm.s32 $0x1B8E;
	s24 =	sld [smem:$0x3FFE];
	[sflag:s23] =	ssyncadd.s32 $0xFFFFFFFF  }
0xa5: {  	s26 =	simm.s32 $execute0_lowered;
	[smem:$0x3FD2] =	sst s25  }
0xa6: {  	s5 =	sshll.u32 s26, $0x1;
	_ =	strace $0x80000046;
	[dreg:$0x1] =	wrdreg $0xFFFFFFFF  }
0xa7: {  	s28 =	simm.s32 $_size_execute0_lowered;
	s3 =	sadd.s32 s3, s5;
	[dreg:$0x0] =	wrdreg $0x0  }
0xa8: {  	s5 =	sshll.u32 s28, $0x1;
	[dreg:$0x2] =	wrdreg s3  }
0xa9: {  	[dreg:$0x3] =	wrdreg s5  }
0xaa: {  	[dreg:$0x4] =	wrdreg $0xC0  }
0xab: {  	_ =	task [dreg:s7], $0x5FFFF  }
0xac: {  	[dreg:$0x1] =	wrdreg $0xFFFFFFFF  }
0xad: {  	[dreg:$0x0] =	wrdreg $0x60  }
0xae: {  	[dreg:$0x2] =	wrdreg s24  }
0xaf: {  	[dreg:$0x3] =	wrdreg s2  }
0xb0: {  	[dreg:$0x4] =	wrdreg $0x68000  }
0xb1: {  	[dreg:$0x5] =	wrdreg $0x9  }
0xb2: {  	_ =	task.clear_ibuf [dreg:s7], $0x6FFFF;
	_ =	strace $0x90000046  }
0xb3: {  	s29 =	simm.s32 $0x9;
	_ =	strace $0x80000048  }
0xb4: {  	_ =	swait.ge [sflag:s29], $0x1  }
0xb5: {  	[sflag:s29] =	ssyncadd.s32 $0xFFFFFFFF  }
0xb6: {  	_ =	strace $0x90000048  }
0xb7: {  	_ =	sfence  }
0xb8: {  	s30 =	sld [smem:$0x0];
	_ =	sdelay $0x2  }
0xb9: {  	s31 =	sshll.u32 s1, $0xD;
	s1 =	sshrl.u32 s1, $0x2  }
0xba: {  	s3 =	sand.u32 $0x4000, s31;
	s1 =	sadd.s32 s1, s30  }
0xbb: {  	s0 =	sor.u32 s3, s0;
	s1 =	sshll.u32 s1, $0x11  }
0xbc: {  	s0 =	sor.u32 s1, s0  }
0xbd: {  	s0 =	sadd.s32 $0x8F2B, s0  }
0xbe: {  	[sflag:s0] =	ssyncadd.remote.s32 $0x1  }
0xbf: {  	_ =	sfence.sel $0xFFFF  }
0xc0: {  	[dreg:$0x0] =	wrdreg $0xFFFFFFFF;
	(pc) =	sbr.abs _section_cstart, $3  }
0xc1: {  	[dreg:$0x1] =	wrdreg $0xFFFFFFFF  }
0xc2: {  	_ =	task.clear_ibuf [dreg:s7], $0x2FFFF;
	_ =	strace $0x9FFFFFFF  }
0xc3: {  	(tm) =	ssettm $0x7FFFFFFF  }
tec
execute0_lowered:
.L_overlay_start_1:
0x0: {  	(tag) =	ssettag $0x1  }
0x1: {  	s0 =	srdreg.scid;
	s6 =	rddreg [dreg:$0x0]  }
0x2: {  	s2 =	rddreg [dreg:$0x1];
	s5 =	sand.u32 $0x1, s0;
	s0 =	stileid.u32  }
0x3: {  	s3 =	rddreg [dreg:$0x2];
	s4 =	simm.s32 $0x0;
	s8 =	smul.u32 $0x2800, s0  }
0x4: {  	[smem:$0x7FF] =	sst s4;
	s1 =	sshll.u32 s5, $0x4;
	s9 =	smul.u32 $0x28000, s5  }
0x5: {  	s26 =	ssub.s32 $0x2, s5;
	s11 =	smul.u32 $0x50000, s0;
	s5 =	sadd.s32 $0x16E00, s6  }
0x6: {  	s31 =	sshll.u32 s0, $0x6;
	s14 =	sor.u32 s0, s1;
	s1 =	rddreg [dreg:$0x3]  }
0x7: {  	_ =	strace $0x80000047;
	s28 =	sshrl.u32 s26, $0x1;
	s7 =	smul.u32 $0x500, s14  }
0x8: {  	s25 =	smul.u32 $0xFFFFFFB0, s14;
	s8 =	sadd.s32 s8, s9;
	s13 =	ssub.s32 s26, s28  }
0x9: {  	s29 =	sshrl.u32 s11, $0x2;
	p0 =	seq.s32 s14, $0x1F;
	s14 =	simm.s32 $0x0  }
0xa: {  	s12 =	sadd.s32 s8, s6;
	s15 =	sadd.s32 s29, s3;
	s11 =	smax.u32 s13, $0x1  }
0xb: {  	s13 =	simm.s32 $0x2;
	s10 =	sadd.s32 s7, s6;
	s6 =	sadd.s32 $0x9C4, s25  }
0xc: {  	s7 =	sor.u32 $0x1C02, s31;
	s30 =	smin.u32 s6, $0x50;
	s8 =	sadd.s32 $0xCE00, s10  }
0xd: {  	s10 =	sadd.s32 $0x17600, s12;
	s12 =	sshrl.u32 s15, $0x3;
	s9 =	sadd.s32 $0xC, s30  }
.LBB2_1:
0xe: {  	[spmem:s12], [sflag:s7] =	dma.local [hbm:s2], $0x2800  }
0xf: {  	_ =	swait.ge [sflag:s13], $0x2800  }
0x10: {  	[sflag:s13] =	ssyncset.done $0x0  }
0x11: {  	[sflag:s13] =	ssyncadd.s32 $0xFFFFD800  }
0x12: {  	[tilespmem:s4], [sflag:$0x2] =	stream.linear.gather [hbm4b:s5+s4], $0x4000, $0x38;
	[tilespmem:$0x1A800] =	vst v63  }
0x13: {  	_ =	swait.ge [sflag:s13], $0x4000  }
0x14: {  	[sflag:s13] =	ssyncset.done $0x0  }
0x15: {  	s15 =	simm.s32 $0x4000;
	[sflag:s13] =	ssyncadd.s32 $0xFFFFC000  }
0x16: {  	[tilespmem:s15], [sflag:$0x2] =	stream.linear.gather [hbm4b:s8+s4], $0x2800, $0x38;
	[tilespmem:$0x1A800] =	vst v63  }
0x17: {  	_ =	swait.ge [sflag:s13], $0x2800  }
0x18: {  	[sflag:s13] =	ssyncset.done $0x0  }
0x19: {  	p1 =	sle.u32 s6, $0x0;
	p2 =	por $0x1, $0x1;
	[sflag:s13] =	ssyncadd.s32 $0xFFFFD800  }
0x1a: {  	s16 =	simm.s32 @!p1 $0x80;
	s17 =	simm.s32 @!p1 $0x0;
	[bflag:$0x0] =	sbarrier.arrive $0xFFFF  }
0x1b: {  	[spmem:s3] =	stream.indirect.scatter.add.s32 @!p1 [tilespmem:s17], [sflag:$0x1], $0x80, s15, s16, $0xb8;
	[tilespmem:$0x1A800] =	vst v63  }
0x1c: {  	p1 =	sle.u32 @!p2 s9, $0x0  }
0x1d: {  	p1 =	por p1, p2  }
0x1e: {  	s17 =	simm.s32 @!p1 $0x1  }
0x1f: {  	s15 =	simm.s32 $0x1;
	s16 =	simm.s32 $0x4080;
	_ =	swait.ge @!p1 [sflag:s17], $0x4000  }
.LBB2_2:
0x20: {  	p2 =	sle.u32 s6, s15;
	p3 =	slt.u32 s15, $0xC  }
0x21: {  	[sflag:s17] =	ssyncset.done @!p1 $0x0;
	s18 =	simm.s32 @!p2 $0x80;
	s19 =	simm.s32 @!p2 $0x0  }
0x22: {  	[sflag:s17] =	ssyncadd.s32 @!p1 $0xFFFFC000;
	p1 =	sge.u32 @!p3 s15, s9;
	s15 =	sadd.s32 $0x1, s15  }
0x23: {  	[spmem:s3] =	stream.indirect.scatter.add.s32 @!p2 [tilespmem:s19], [sflag:$0x1], $0x80, s16, s18, $0xb8;
	[tilespmem:$0x1A800] =	vst v63  }
0x24: {  	p2 =	sne.s32 s15, $0x50  }
.Ltmp0:
0x25: {  	_ = 	snop;
	(pc) =	sbr.rel @p2 .LBB2_2-.Ltmp0, $4  }
0x26: {  	_ = 	snop  }
0x27: {  	p1 =	por p1, p3  }
0x28: {  	s17 =	simm.s32 @!p1 $0x1  }
0x29: {  	s16 =	sadd.s32 $0x80, s16;
	_ =	swait.ge @!p1 [sflag:s17], $0x4000  }
0x2a: {  	[sflag:s17] =	ssyncset.done @!p1 $0x0  }
0x2b: {  	s15 =	simm.s32 @!p0 $0x1;
	[sflag:s17] =	ssyncadd.s32 @!p1 $0xFFFFC000  }
0x2c: {  	_ =	swait.ge @!p0 [sflag:s15], $0x4000  }
0x2d: {  	[sflag:s15] =	ssyncset.done @!p0 $0x0  }
0x2e: {  	[sflag:s15] =	ssyncadd.s32 @!p0 $0xFFFFC000  }
0x2f: {  	_ =	swait.ge @!p0 [sflag:s15], $0x4000  }
0x30: {  	[sflag:s15] =	ssyncset.done @!p0 $0x0  }
0x31: {  	[sflag:s15] =	ssyncadd.s32 @!p0 $0xFFFFC000  }
0x32: {  	_ =	swait.ge @!p0 [sflag:s15], $0x4000  }
0x33: {  	[sflag:s15] =	ssyncset.done @!p0 $0x0  }
0x34: {  	[sflag:s15] =	ssyncadd.s32 @!p0 $0xFFFFC000  }
0x35: {  	_ =	swait.ge @!p0 [sflag:s15], $0x4000  }
0x36: {  	[sflag:s15] =	ssyncset.done @!p0 $0x0  }
0x37: {  	[sflag:s15] =	ssyncadd.s32 @!p0 $0xFFFFC000  }
0x38: {  	_ =	swait.ge @!p0 [sflag:s15], $0x4000  }
0x39: {  	[sflag:s15] =	ssyncset.done @!p0 $0x0  }
0x3a: {  	[sflag:s15] =	ssyncadd.s32 @!p0 $0xFFFFC000  }
0x3b: {  	_ =	swait.ge @!p0 [sflag:s15], $0x4000  }
0x3c: {  	[sflag:s15] =	ssyncset.done @!p0 $0x0  }
0x3d: {  	[sflag:s15] =	ssyncadd.s32 @!p0 $0xFFFFC000  }
0x3e: {  	_ =	swait.ge @!p0 [sflag:s15], $0x4000  }
0x3f: {  	[sflag:s15] =	ssyncset.done @!p0 $0x0  }
0x40: {  	[sflag:s15] =	ssyncadd.s32 @!p0 $0xFFFFC000  }
0x41: {  	_ =	swait.ge @!p0 [sflag:s15], $0x4000  }
0x42: {  	[sflag:s15] =	ssyncset.done @!p0 $0x0  }
0x43: {  	[sflag:s15] =	ssyncadd.s32 @!p0 $0xFFFFC000  }
0x44: {  	_ =	swait.ge @!p0 [sflag:s15], $0x4000  }
0x45: {  	[sflag:s15] =	ssyncset.done @!p0 $0x0  }
0x46: {  	[sflag:s15] =	ssyncadd.s32 @!p0 $0xFFFFC000  }
0x47: {  	_ =	swait.ge @!p0 [sflag:s15], $0x4000  }
0x48: {  	[sflag:s15] =	ssyncset.done @!p0 $0x0  }
0x49: {  	[sflag:s15] =	ssyncadd.s32 @!p0 $0xFFFFC000  }
0x4a: {  	_ =	swait.ge @!p0 [sflag:s15], $0x4000  }
0x4b: {  	[sflag:s15] =	ssyncset.done @!p0 $0x0  }
0x4c: {  	[sflag:s15] =	ssyncadd.s32 @!p0 $0xFFFFC000  }
0x4d: {  	_ =	swait.ge @!p0 [sflag:s15], $0x4000  }
0x4e: {  	s14 =	sadd.s32 $0x1, s14;
	[sflag:s15] =	ssyncset.done @!p0 $0x0  }
0x4f: {  	p1 =	sne.s32 s14, s11;
	[sflag:s15] =	ssyncadd.s32 @!p0 $0xFFFFC000  }
.Ltmp1:
0x50: {  	[bflag:$0x0] =	sbarrier.arrive $0xFFFF;
	(pc) =	sbr.rel @p1 .LBB2_1-.Ltmp1, $4  }
0x51: {  	[hbm:s10], [sflag:s7] =	dma.local [spmem:s12], $0x2800  }
0x52: {  	_ =	swait.ge [sflag:s13], $0x2800  }
0x53: {  	[sflag:s13] =	ssyncset.done $0x0  }
0x54: {  	[sflag:s13] =	ssyncadd.s32 $0xFFFFD800  }
0x55: {  	_ =	sfence.sel $0x180000  }
0x56: {  	[bflag:$0x0] =	sbarrier.arrive $0xFFFF  }
0x57: {  	p0 =	sne.s32 s0, $0x0;
	_ =	strace $0x90000047  }
0x58: {  	s0 =	sadd.s32 @!p0 $0x100000, s1;
	[bflag:$0x2] =	sbarrier.arrive $0xFFFF  }
0x59: {  	[sflag:s0] =	ssyncadd.tile.s32 @!p0 $0x1;
	_ =	shalt  }
.Lfunc_end2:
_tile_overlayer_lowered:
.L_overlay_start_2:
0x5a: {  	(tag) =	ssettag $0x2  }
0x5b: {  	s0 =	rddreg [dreg:$0x0];
	s2 =	stileid.u32  }
0x5c: {  	s1 =	rddreg [dreg:$0x1];
	p0 =	sne.s32 s2, $0x0  }
0x5d: {  	s3 =	rddreg [dreg:$0x2];
	[bflag:$0x3] =	sbarrier.arrive $0xFFFF;
	s2 =	simm.s32 @!p0 $0x1C02  }
0x5e: {  	[timem:s3], [sflag:s2] =	dma.local @!p0 [hbm:s0], s1  }
0x5f: {  	s0 =	simm.s32 @!p0 $0x2  }
0x60: {  	_ =	swait.ge @!p0 [sflag:s0], s1  }
0x61: {  	s1 =	ssub.s32 @!p0 $0x0, s1;
	[sflag:s0] =	ssyncset.done @!p0 $0x0  }
0x62: {  	[sflag:s0] =	ssyncadd.s32 @!p0 s1  }
0x63: {  	[bflag:$0x3] =	sbarrier.arrive $0xFFFF  }
0x64: {  	_ =	shalt  }

</sc_bundles>
